<compile_context>
chip_gen: v7x
topology: tpu7x:2x2x1
jax: 0.10.2.dev20260603
libtpu: 0.0.44.dev20260713+nightly
codegen_flags: <defaults>
</compile_context>

<pallas_src>
import functools

import jax
import jax.numpy as jnp
from jax import lax
from jax.experimental import pallas as pl
from jax.experimental.pallas import tpu as pltpu
from jax.experimental.pallas import tpu_sc as plsc

N_NODES = 10000
N_EDGES = 320000
H_SIZE = 128

NUM_CORES = 2
NUM_SUBCORES = 16
CHUNK = 96
CHUNKS_PER_SUBCORE = 209
EDGES_PER_SUBCORE = CHUNK * CHUNKS_PER_SUBCORE
E_PAD = EDGES_PER_SUBCORE * NUM_SUBCORES
ACC_ROWS = 10112
ZERO_ROWS = ACC_ROWS // NUM_SUBCORES
OUT_ROWS = 624


def _make_segment_sums():
    mesh = plsc.VectorSubcoreMesh(core_axis_name="c", subcore_axis_name="s")

    @functools.partial(
        pl.kernel,
        mesh=mesh,
        out_type=(
            jax.ShapeDtypeStruct((N_NODES, H_SIZE), jnp.float32),
            jax.ShapeDtypeStruct((N_NODES, H_SIZE), jnp.float32),
        ),
        scratch_types=[
            pltpu.VMEM((EDGES_PER_SUBCORE,), jnp.int32),
            pltpu.VMEM((CHUNK,), jnp.int32),
            pltpu.VMEM((CHUNK,), jnp.int32),
            pltpu.VMEM((CHUNK,), jnp.int32),
            pltpu.VMEM((CHUNK,), jnp.int32),
            pltpu.VMEM((CHUNK, H_SIZE), jnp.float32),
            pltpu.VMEM((CHUNK, H_SIZE), jnp.float32),
            pltpu.VMEM_SHARED((ACC_ROWS, H_SIZE), jnp.float32),
            pltpu.SemaphoreType.DMA,
            pltpu.SemaphoreType.DMA,
            pltpu.SemaphoreType.DMA,
            pltpu.SemaphoreType.DMA,
        ],
    )
    def seg_sum(h_hbm, c_hbm, packed_hbm, zeros_hbm,
                hsum_hbm, csum_hbm, idxp, s0, s1, d0, d1, r0, r1, acc,
                semA, semB, semA2, semB2):
        cid = lax.axis_index("c")
        sid = lax.axis_index("s")

        pltpu.sync_copy(zeros_hbm, acc.at[pl.ds(sid * ZERO_ROWS, ZERO_ROWS)])
        plsc.subcore_barrier()

        def unpack(i, sb, db):
            for cseg in range(CHUNK // 16):
                v = idxp[pl.ds(i * CHUNK + cseg * 16, 16)]
                sb[pl.ds(cseg * 16, 16)] = v & 16383
                db[pl.ds(cseg * 16, 16)] = lax.shift_right_logical(v, 14)

        def run_edges(table_hbm):
            def drain_scatters():
                pltpu.make_async_copy(r0, acc.at[d0], semA2).wait()
                pltpu.make_async_copy(r1, acc.at[d1], semB2).wait()

            pltpu.sync_copy(packed_hbm.at[sid], idxp)

            @pl.loop(0, CHUNKS_PER_SUBCORE // 2)
            def _(j):
                @pl.when(j > 0)
                def _():
                    drain_scatters()
                i0 = j * 2
                unpack(i0, s0, d0)
                unpack(i0 + 1, s1, d1)
                hA = pltpu.async_copy(table_hbm.at[s0], r0, semA)
                hB = pltpu.async_copy(table_hbm.at[s1], r1, semB)
                hA.wait()
                pltpu.async_copy(r0, acc.at[d0], semA2, add=True)
                hB.wait()
                pltpu.async_copy(r1, acc.at[d1], semB2, add=True)

            drain_scatters()
            i_last = CHUNKS_PER_SUBCORE - 1
            unpack(i_last, s0, d0)
            pltpu.sync_copy(table_hbm.at[s0], r0)
            pltpu.sync_copy(r0, acc.at[d0], add=True)

        @pl.when(cid == 0)
        def _():
            run_edges(h_hbm)

        @pl.when(cid == 1)
        def _():
            run_edges(c_hbm)

        plsc.subcore_barrier()

        def writeout(dst_hbm_ref):
            @pl.when(sid < NUM_SUBCORES - 1)
            def _():
                slc = pl.ds(sid * OUT_ROWS, OUT_ROWS)
                pltpu.sync_copy(acc.at[slc], dst_hbm_ref.at[slc])

            @pl.when(sid == NUM_SUBCORES - 1)
            def _():
                slc = pl.ds((NUM_SUBCORES - 1) * OUT_ROWS,
                            N_NODES - (NUM_SUBCORES - 1) * OUT_ROWS)
                pltpu.sync_copy(acc.at[slc], dst_hbm_ref.at[slc])

        @pl.when(cid == 0)
        def _():
            writeout(hsum_hbm)

        @pl.when(cid == 1)
        def _():
            writeout(csum_hbm)

    return seg_sum


_segment_sums = _make_segment_sums()


def _gates_body(hs_ref, cs_ref, wf_ref, bf_ref, wiou_ref, biou_ref,
                hn_ref, cn_ref):
    hs = hs_ref[...]
    f = jax.nn.sigmoid(
        jnp.dot(hs, wf_ref[...], preferred_element_type=jnp.float32)
        + bf_ref[...])
    c_agg = f * cs_ref[...]
    iou = (jnp.dot(hs, wiou_ref[...], preferred_element_type=jnp.float32)
           + biou_ref[...])
    i = jax.nn.sigmoid(iou[:, 0:H_SIZE])
    o = jax.nn.sigmoid(iou[:, H_SIZE:2 * H_SIZE])
    u = jnp.tanh(iou[:, 2 * H_SIZE:3 * H_SIZE])
    c_new = i * u + c_agg
    cn_ref[...] = c_new
    hn_ref[...] = o * jnp.tanh(c_new)


_GATE_BLOCK = 2000


def _gates(h_sum, c_sum, wf_t, bf, wiou_t, biou):
    grid = (N_NODES // _GATE_BLOCK,)
    row_spec = pl.BlockSpec((_GATE_BLOCK, H_SIZE), lambda i: (i, 0))
    iou_w_spec = pl.BlockSpec((H_SIZE, 3 * H_SIZE), lambda i: (0, 0))
    f_w_spec = pl.BlockSpec((H_SIZE, H_SIZE), lambda i: (0, 0))
    return pl.pallas_call(
        _gates_body,
        grid=grid,
        in_specs=[
            row_spec,
            row_spec,
            f_w_spec,
            pl.BlockSpec((1, H_SIZE), lambda i: (0, 0)),
            iou_w_spec,
            pl.BlockSpec((1, 3 * H_SIZE), lambda i: (0, 0)),
        ],
        out_specs=[row_spec, row_spec],
        out_shape=(
            jax.ShapeDtypeStruct((N_NODES, H_SIZE), jnp.float32),
            jax.ShapeDtypeStruct((N_NODES, H_SIZE), jnp.float32),
        ),
    )(h_sum, c_sum, wf_t, bf, wiou_t, biou)


def kernel(h, c, edge_index, U_iou_W, U_f_W, U_f_b, b_iou):
    src = edge_index[0]
    dst = edge_index[1]
    pad = E_PAD - N_EDGES
    src_p = jnp.concatenate([src, jnp.zeros((pad,), jnp.int32)])
    dst_p = jnp.concatenate([dst, jnp.full((pad,), N_NODES, jnp.int32)])
    packed = jnp.bitwise_or(src_p, jnp.left_shift(dst_p, 14))
    packed = packed.reshape(NUM_SUBCORES, EDGES_PER_SUBCORE)
    zeros = jnp.zeros((ZERO_ROWS, H_SIZE), jnp.float32)
    h_sum, c_sum = _segment_sums(h, c, packed, zeros)
    h_new, c_new = _gates(
        h_sum, c_sum,
        U_f_W.T, U_f_b.reshape(1, H_SIZE),
        U_iou_W.T, b_iou.reshape(1, 3 * H_SIZE))
    return (h_new, c_new)

# --- scband reference (transcript-rebuilt; emitter-appended) ---
"""Pipeline reference for scband-tree-lstmcell-25254407701042 (READ-ONLY COPY).

The authoritative reference and input builder live on the scoring server;
editing this copy changes nothing except your own understanding.
"""

import jax, jax.numpy as jnp
import numpy as np

N_NODES = 10000
N_EDGES = 320000
X_SIZE = 128
H_SIZE = 128


def setup_inputs(seed: int = 0) -> dict:
    key = jax.random.key(seed)
    k1, k2, k3, k4, k5, k6 = jax.random.split(key, 6)
    h = jax.random.normal(k1, (N_NODES, H_SIZE), dtype=jnp.float32)
    c = jax.random.normal(k2, (N_NODES, H_SIZE), dtype=jnp.float32)
    edge_index = jax.random.randint(k3, (2, N_EDGES), 0, N_NODES, dtype=jnp.int32)
    # Learned parameters (torch nn.Linear convention: weight shape [out, in])
    U_iou_W = jax.random.normal(k4, (3 * H_SIZE, H_SIZE), dtype=jnp.float32) * (1.0 / np.sqrt(H_SIZE))
    U_f_W = jax.random.normal(k5, (H_SIZE, H_SIZE), dtype=jnp.float32) * (1.0 / np.sqrt(H_SIZE))
    U_f_b = jax.random.normal(k6, (H_SIZE,), dtype=jnp.float32) * (1.0 / np.sqrt(H_SIZE))
    b_iou = jnp.zeros((1, 3 * H_SIZE), dtype=jnp.float32)
    return {
        "h": h,
        "c": c,
        "edge_index": edge_index,
        "U_iou_W": U_iou_W,
        "U_f_W": U_f_W,
        "U_f_b": U_f_b,
        "b_iou": b_iou,
    }


def reference(h, c, edge_index, U_iou_W, U_f_W, U_f_b, b_iou):
    # message_func: gather src h and c along edges
    src = edge_index[0]
    dst = edge_index[1]
    h_msg = jnp.take(h, src, axis=0)   # [E, H]
    c_msg = jnp.take(c, src, axis=0)   # [E, H]
    # reduce_func (mode='sum'): sum mailbox over incoming edges per dst node
    h_sum = jax.ops.segment_sum(h_msg, dst, num_segments=N_NODES)  # [N, H]
    c_sum = jax.ops.segment_sum(c_msg, dst, num_segments=N_NODES)  # [N, H]
    f = jax.nn.sigmoid(h_sum @ U_f_W.T + U_f_b)                    # [N, H]
    c_agg = f * c_sum                                              # [N, H]
    iou = h_sum @ U_iou_W.T                                        # [N, 3H]
    # apply_node_func
    iou = iou + b_iou
    i, o, u = jnp.split(iou, 3, axis=1)
    i = jax.nn.sigmoid(i)
    o = jax.nn.sigmoid(o)
    u = jnp.tanh(u)
    c_new = i * u + c_agg
    h_new = o * jnp.tanh(c_new)
    return (h_new, c_new)

if __name__ == "__main__":
    import jax
    _d = setup_inputs()
    print(jax.jit(kernel)(*tuple(_d.values())))

</pallas_src>

<mosaic_0001>
#map = affine_map<(d0, d1) -> (0, 0)>
module attributes {stable_mosaic.version = 14 : i64} {
  func.func @seg_sum(%arg0: i32, %arg1: i32, %arg2: memref<10000x128xf32, #tpu.memory_space<hbm>>, %arg3: memref<10000x128xf32, #tpu.memory_space<hbm>>, %arg4: memref<16x20064xi32, #tpu.memory_space<hbm>>, %arg5: memref<632x128xf32, #tpu.memory_space<hbm>>, %arg6: memref<10000x128xf32, #tpu.memory_space<hbm>>, %arg7: memref<10000x128xf32, #tpu.memory_space<hbm>>, %arg8: memref<20064xi32, #tpu.memory_space<vmem>>, %arg9: memref<96xi32, #tpu.memory_space<vmem>>, %arg10: memref<96xi32, #tpu.memory_space<vmem>>, %arg11: memref<96xi32, #tpu.memory_space<vmem>>, %arg12: memref<96xi32, #tpu.memory_space<vmem>>, %arg13: memref<96x128xf32, #tpu.memory_space<vmem>>, %arg14: memref<96x128xf32, #tpu.memory_space<vmem>>, %arg15: memref<10112x128xf32, #tpu.memory_space<vmem_shared>>, %arg16: memref<!tpu.dma_semaphore, #tpu.memory_space<semaphore_mem>>, %arg17: memref<!tpu.dma_semaphore, #tpu.memory_space<semaphore_mem>>, %arg18: memref<!tpu.dma_semaphore, #tpu.memory_space<semaphore_mem>>, %arg19: memref<!tpu.dma_semaphore, #tpu.memory_space<semaphore_mem>>) attributes {dimension_semantics = [#tpu.dimension_semantics<core_parallel>, #tpu.dimension_semantics<subcore_parallel>], iteration_bounds = array<i64: 2, 16>, scalar_prefetch = 0 : i64, scratch_operands = 12 : i64, tpu.core_type = #tpu.core_type<sc_vector_subcore>, window_params = [{transform_indices = #map}, {transform_indices = #map}, {transform_indices = #map}, {transform_indices = #map}, {transform_indices = #map}, {transform_indices = #map}]} {
    %mul3A = arith.constant 632 : i32
    %mul3A_0 = arith.muli %arg1, %mul3A : i32
    "tpu.region"() ({
      %run_scoped3A = tpu.sem_alloc : memref<!tpu.dma_semaphore, #tpu.memory_space<semaphore_mem>>
      %dma_start3A = arith.constant 0 : i32
      %dma_start3A_19 = tpu.memref_slice %arg15[%mul3A_0, %dma_start3A] : memref<10112x128xf32, #tpu.memory_space<vmem_shared>> -> memref<632x128xf32, #tpu.memory_space<vmem_shared>>
      tpu.enqueue_dma source(%arg5 : memref<632x128xf32, #tpu.memory_space<hbm>>) target(%dma_start3A_19 : memref<632x128xf32, #tpu.memory_space<vmem_shared>>) target_semaphore(%run_scoped3A : memref<!tpu.dma_semaphore, #tpu.memory_space<semaphore_mem>>)
      %dma_wait3A = arith.constant 0 : i32
      %dma_wait3A_20 = tpu.memref_slice %arg15[%mul3A_0, %dma_wait3A] : memref<10112x128xf32, #tpu.memory_space<vmem_shared>> -> memref<632x128xf32, #tpu.memory_space<vmem_shared>>
      tpu.wait_dma2 semaphore(%run_scoped3A : memref<!tpu.dma_semaphore, #tpu.memory_space<semaphore_mem>>) src(%arg5 : memref<632x128xf32, #tpu.memory_space<hbm>>) dst(%dma_wait3A_20 : memref<632x128xf32, #tpu.memory_space<vmem_shared>>)
      tpu.yield
    }) : () -> ()
    %barrier3A = arith.constant 0 : index
    tpu.barrier barrier_id(%barrier3A)
    %eq3A = arith.constant 0 : i32
    %eq3A_1 = arith.cmpi eq, %arg0, %eq3A : i32
    %convert_element_type3A = arith.extui %eq3A_1 : i1 to i32
    %cond3A = arith.constant 0 : i32
    %cond3A_2 = arith.cmpi ne, %convert_element_type3A, %cond3A : i32
    scf.if %cond3A_2 {
      "tpu.region"() ({
        %run_scoped3A = tpu.sem_alloc : memref<!tpu.dma_semaphore, #tpu.memory_space<semaphore_mem>>
        %dma_start3A = arith.constant 0 : i32
        %dma_start3A_126 = tpu.memref_slice %arg4[%arg1, %dma_start3A] : memref<16x20064xi32, #tpu.memory_space<hbm>> -> memref<1x20064xi32, #tpu.memory_space<hbm>>
        %dma_start3A_127 = tpu.memref_squeeze %dma_start3A_126 : memref<1x20064xi32, #tpu.memory_space<hbm>> -> memref<20064xi32, #tpu.memory_space<hbm>>
        %dma_start3A_128 = arith.constant 0 : i32
        %dma_start3A_129 = tpu.memref_slice %arg4[%arg1, %dma_start3A_128] : memref<16x20064xi32, #tpu.memory_space<hbm>> -> memref<1x20064xi32, #tpu.memory_space<hbm>>
        %dma_start3A_130 = tpu.memref_squeeze %dma_start3A_129 : memref<1x20064xi32, #tpu.memory_space<hbm>> -> memref<20064xi32, #tpu.memory_space<hbm>>
        tpu.enqueue_dma source(%dma_start3A_130 : memref<20064xi32, #tpu.memory_space<hbm>>) target(%arg8 : memref<20064xi32, #tpu.memory_space<vmem>>) target_semaphore(%run_scoped3A : memref<!tpu.dma_semaphore, #tpu.memory_space<semaphore_mem>>)
        %dma_wait3A_131 = arith.constant 0 : i32
        %dma_wait3A_132 = tpu.memref_slice %arg4[%arg1, %dma_wait3A_131] : memref<16x20064xi32, #tpu.memory_space<hbm>> -> memref<1x20064xi32, #tpu.memory_space<hbm>>
        %dma_wait3A_133 = tpu.memref_squeeze %dma_wait3A_132 : memref<1x20064xi32, #tpu.memory_space<hbm>> -> memref<20064xi32, #tpu.memory_space<hbm>>
        %dma_wait3A_134 = arith.constant 0 : i32
        %dma_wait3A_135 = tpu.memref_slice %arg4[%arg1, %dma_wait3A_134] : memref<16x20064xi32, #tpu.memory_space<hbm>> -> memref<1x20064xi32, #tpu.memory_space<hbm>>
        %dma_wait3A_136 = tpu.memref_squeeze %dma_wait3A_135 : memref<1x20064xi32, #tpu.memory_space<hbm>> -> memref<20064xi32, #tpu.memory_space<hbm>>
        tpu.wait_dma2 semaphore(%run_scoped3A : memref<!tpu.dma_semaphore, #tpu.memory_space<semaphore_mem>>) src(%dma_wait3A_136 : memref<20064xi32, #tpu.memory_space<hbm>>) dst(%arg8 : memref<20064xi32, #tpu.memory_space<vmem>>)
        tpu.yield
      }) : () -> ()
      %scan3A = arith.constant 0 : i32
      %scan3A_19 = arith.constant 104 : i32
      %scan3A_20 = arith.addi %scan3A, %scan3A_19 : i32
      %scan3A_21 = arith.constant 1 : i32
      scf.for %scan3A_126 = %scan3A to %scan3A_20 step %scan3A_21  : i32 {
        %mul3A_127 = arith.constant 1 : i32
        %mul3A_128 = arith.muli %scan3A_126, %mul3A_127 : i32
        %add3A = arith.constant 0 : i32
        %add3A_129 = arith.addi %add3A, %mul3A_128 : i32
        %gt3A = arith.constant 0 : i32
        %gt3A_130 = arith.cmpi sgt, %add3A_129, %gt3A : i32
        %convert_element_type3A_131 = arith.extui %gt3A_130 : i1 to i32
        %cond3A_132 = arith.constant 0 : i32
        %cond3A_133 = arith.cmpi ne, %convert_element_type3A_131, %cond3A_132 : i32
        scf.if %cond3A_133 {
          %dma_wait3A_407 = arith.constant 0 : i32
          %dma_wait3A_408 = arith.constant 0 : i32
          %dma_wait3A_409 = tpu.memref_slice %arg15[%dma_wait3A_407, %dma_wait3A_408] : memref<10112x128xf32, #tpu.memory_space<vmem_shared>> -> memref<10112x128xf32, #tpu.memory_space<vmem_shared>>
          tpu.wait_indirect_dma semaphore(%arg18 : memref<!tpu.dma_semaphore, #tpu.memory_space<semaphore_mem>>) src(%arg13 : memref<96x128xf32, #tpu.memory_space<vmem>>) dst(%dma_wait3A_409 : memref<10112x128xf32, #tpu.memory_space<vmem_shared>>)
          %dma_wait3A_410 = arith.constant 0 : i32
          %dma_wait3A_411 = arith.constant 0 : i32
          %dma_wait3A_412 = tpu.memref_slice %arg15[%dma_wait3A_410, %dma_wait3A_411] : memref<10112x128xf32, #tpu.memory_space<vmem_shared>> -> memref<10112x128xf32, #tpu.memory_space<vmem_shared>>
          tpu.wait_indirect_dma semaphore(%arg19 : memref<!tpu.dma_semaphore, #tpu.memory_space<semaphore_mem>>) src(%arg14 : memref<96x128xf32, #tpu.memory_space<vmem>>) dst(%dma_wait3A_412 : memref<10112x128xf32, #tpu.memory_space<vmem_shared>>)
        } else {
        }
        %mul3A_134 = arith.constant 2 : i32
        %mul3A_135 = arith.muli %add3A_129, %mul3A_134 : i32
        %mul3A_136 = arith.constant 96 : i32
        %mul3A_137 = arith.muli %mul3A_135, %mul3A_136 : i32
        %add3A_138 = arith.constant 0 : i32
        %add3A_139 = arith.addi %mul3A_137, %add3A_138 : i32
        %get3A_140 = arith.index_cast %add3A_139 : i32 to index
        %get3A_141 = tpu.vector_load %arg8[%get3A_140] {strides = array<i32>} : memref<20064xi32, #tpu.memory_space<vmem>>, vector<16xi32>,
        %get3A_142 = vector.shape_cast %get3A_141 : vector<16xi32> to vector<16xi32>
        %and3A_143 = arith.constant 16383 : i32
        %and3A_144 = vector.broadcast %and3A_143 : i32 to vector<16xi32>
        %and3A_145 = arith.andi %get3A_142, %and3A_144 : vector<16xi32>
        %swap3A_146 = arith.constant 0 : index
        %swap3A_147 = tpu.vector_load %arg9[%swap3A_146] {strides = array<i32>} : memref<96xi32, #tpu.memory_space<vmem>>, vector<16xi32>,
        %swap3A_148 = vector.shape_cast %swap3A_147 : vector<16xi32> to vector<16xi32>
        %swap3A_149 = vector.shape_cast %and3A_145 : vector<16xi32> to vector<16xi32>
        tpu.vector_store %arg9[%swap3A_146], %swap3A_149 {strides = array<i32>} : memref<96xi32, #tpu.memory_space<vmem>>, vector<16xi32>,
        %shift_right_logical3A_150 = arith.constant 14 : i32
        %shift_right_logical3A_151 = vector.broadcast %shift_right_logical3A_150 : i32 to vector<16xi32>
        %shift_right_logical3A_152 = arith.shrui %get3A_142, %shift_right_logical3A_151 : vector<16xi32>
        %swap3A_153 = arith.constant 0 : index
        %swap3A_154 = tpu.vector_load %arg11[%swap3A_153] {strides = array<i32>} : memref<96xi32, #tpu.memory_space<vmem>>, vector<16xi32>,
        %swap3A_155 = vector.shape_cast %swap3A_154 : vector<16xi32> to vector<16xi32>
        %swap3A_156 = vector.shape_cast %shift_right_logical3A_152 : vector<16xi32> to vector<16xi32>
        tpu.vector_store %arg11[%swap3A_153], %swap3A_156 {strides = array<i32>} : memref<96xi32, #tpu.memory_space<vmem>>, vector<16xi32>,
        %mul3A_157 = arith.constant 96 : i32
        %mul3A_158 = arith.muli %mul3A_135, %mul3A_157 : i32
        %add3A_159 = arith.constant 16 : i32
        %add3A_160 = arith.addi %mul3A_158, %add3A_159 : i32
        %get3A_161 = arith.index_cast %add3A_160 : i32 to index
        %get3A_162 = tpu.vector_load %arg8[%get3A_161] {strides = array<i32>} : memref<20064xi32, #tpu.memory_space<vmem>>, vector<16xi32>,
        %get3A_163 = vector.shape_cast %get3A_162 : vector<16xi32> to vector<16xi32>
        %and3A_164 = arith.constant 16383 : i32
        %and3A_165 = vector.broadcast %and3A_164 : i32 to vector<16xi32>
        %and3A_166 = arith.andi %get3A_163, %and3A_165 : vector<16xi32>
        %swap3A_167 = arith.constant 16 : index
        %swap3A_168 = tpu.vector_load %arg9[%swap3A_167] {strides = array<i32>} : memref<96xi32, #tpu.memory_space<vmem>>, vector<16xi32>,
        %swap3A_169 = vector.shape_cast %swap3A_168 : vector<16xi32> to vector<16xi32>
        %swap3A_170 = vector.shape_cast %and3A_166 : vector<16xi32> to vector<16xi32>
        tpu.vector_store %arg9[%swap3A_167], %swap3A_170 {strides = array<i32>} : memref<96xi32, #tpu.memory_space<vmem>>, vector<16xi32>,
        %shift_right_logical3A_171 = arith.constant 14 : i32
        %shift_right_logical3A_172 = vector.broadcast %shift_right_logical3A_171 : i32 to vector<16xi32>
        %shift_right_logical3A_173 = arith.shrui %get3A_163, %shift_right_logical3A_172 : vector<16xi32>
        %swap3A_174 = arith.constant 16 : index
        %swap3A_175 = tpu.vector_load %arg11[%swap3A_174] {strides = array<i32>} : memref<96xi32, #tpu.memory_space<vmem>>, vector<16xi32>,
        %swap3A_176 = vector.shape_cast %swap3A_175 : vector<16xi32> to vector<16xi32>
        %swap3A_177 = vector.shape_cast %shift_right_logical3A_173 : vector<16xi32> to vector<16xi32>
        tpu.vector_store %arg11[%swap3A_174], %swap3A_177 {strides = array<i32>} : memref<96xi32, #tpu.memory_space<vmem>>, vector<16xi32>,
        %mul3A_178 = arith.constant 96 : i32
        %mul3A_179 = arith.muli %mul3A_135, %mul3A_178 : i32
        %add3A_180 = arith.constant 32 : i32
        %add3A_181 = arith.addi %mul3A_179, %add3A_180 : i32
        %get3A_182 = arith.index_cast %add3A_181 : i32 to index
        %get3A_183 = tpu.vector_load %arg8[%get3A_182] {strides = array<i32>} : memref<20064xi32, #tpu.memory_space<vmem>>, vector<16xi32>,
        %get3A_184 = vector.shape_cast %get3A_183 : vector<16xi32> to vector<16xi32>
        %and3A_185 = arith.constant 16383 : i32
        %and3A_186 = vector.broadcast %and3A_185 : i32 to vector<16xi32>
        %and3A_187 = arith.andi %get3A_184, %and3A_186 : vector<16xi32>
        %swap3A_188 = arith.constant 32 : index
        %swap3A_189 = tpu.vector_load %arg9[%swap3A_188] {strides = array<i32>} : memref<96xi32, #tpu.memory_space<vmem>>, vector<16xi32>,
        %swap3A_190 = vector.shape_cast %swap3A_189 : vector<16xi32> to vector<16xi32>
        %swap3A_191 = vector.shape_cast %and3A_187 : vector<16xi32> to vector<16xi32>
        tpu.vector_store %arg9[%swap3A_188], %swap3A_191 {strides = array<i32>} : memref<96xi32, #tpu.memory_space<vmem>>, vector<16xi32>,
        %shift_right_logical3A_192 = arith.constant 14 : i32
        %shift_right_logical3A_193 = vector.broadcast %shift_right_logical3A_192 : i32 to vector<16xi32>
        %shift_right_logical3A_194 = arith.shrui %get3A_184, %shift_right_logical3A_193 : vector<16xi32>
        %swap3A_195 = arith.constant 32 : index
        %swap3A_196 = tpu.vector_load %arg11[%swap3A_195] {strides = array<i32>} : memref<96xi32, #tpu.memory_space<vmem>>, vector<16xi32>,
        %swap3A_197 = vector.shape_cast %swap3A_196 : vector<16xi32> to vector<16xi32>
        %swap3A_198 = vector.shape_cast %shift_right_logical3A_194 : vector<16xi32> to vector<16xi32>
        tpu.vector_store %arg11[%swap3A_195], %swap3A_198 {strides = array<i32>} : memref<96xi32, #tpu.memory_space<vmem>>, vector<16xi32>,
        %mul3A_199 = arith.constant 96 : i32
        %mul3A_200 = arith.muli %mul3A_135, %mul3A_199 : i32
        %add3A_201 = arith.constant 48 : i32
        %add3A_202 = arith.addi %mul3A_200, %add3A_201 : i32
        %get3A_203 = arith.index_cast %add3A_202 : i32 to index
        %get3A_204 = tpu.vector_load %arg8[%get3A_203] {strides = array<i32>} : memref<20064xi32, #tpu.memory_space<vmem>>, vector<16xi32>,
        %get3A_205 = vector.shape_cast %get3A_204 : vector<16xi32> to vector<16xi32>
        %and3A_206 = arith.constant 16383 : i32
        %and3A_207 = vector.broadcast %and3A_206 : i32 to vector<16xi32>
        %and3A_208 = arith.andi %get3A_205, %and3A_207 : vector<16xi32>
        %swap3A_209 = arith.constant 48 : index
        %swap3A_210 = tpu.vector_load %arg9[%swap3A_209] {strides = array<i32>} : memref<96xi32, #tpu.memory_space<vmem>>, vector<16xi32>,
        %swap3A_211 = vector.shape_cast %swap3A_210 : vector<16xi32> to vector<16xi32>
        %swap3A_212 = vector.shape_cast %and3A_208 : vector<16xi32> to vector<16xi32>
        tpu.vector_store %arg9[%swap3A_209], %swap3A_212 {strides = array<i32>} : memref<96xi32, #tpu.memory_space<vmem>>, vector<16xi32>,
        %shift_right_logical3A_213 = arith.constant 14 : i32
        %shift_right_logical3A_214 = vector.broadcast %shift_right_logical3A_213 : i32 to vector<16xi32>
        %shift_right_logical3A_215 = arith.shrui %get3A_205, %shift_right_logical3A_214 : vector<16xi32>
        %swap3A_216 = arith.constant 48 : index
        %swap3A_217 = tpu.vector_load %arg11[%swap3A_216] {strides = array<i32>} : memref<96xi32, #tpu.memory_space<vmem>>, vector<16xi32>,
        %swap3A_218 = vector.shape_cast %swap3A_217 : vector<16xi32> to vector<16xi32>
        %swap3A_219 = vector.shape_cast %shift_right_logical3A_215 : vector<16xi32> to vector<16xi32>
        tpu.vector_store %arg11[%swap3A_216], %swap3A_219 {strides = array<i32>} : memref<96xi32, #tpu.memory_space<vmem>>, vector<16xi32>,
        %mul3A_220 = arith.constant 96 : i32
        %mul3A_221 = arith.muli %mul3A_135, %mul3A_220 : i32
        %add3A_222 = arith.constant 64 : i32
        %add3A_223 = arith.addi %mul3A_221, %add3A_222 : i32
        %get3A_224 = arith.index_cast %add3A_223 : i32 to index
        %get3A_225 = tpu.vector_load %arg8[%get3A_224] {strides = array<i32>} : memref<20064xi32, #tpu.memory_space<vmem>>, vector<16xi32>,
        %get3A_226 = vector.shape_cast %get3A_225 : vector<16xi32> to vector<16xi32>
        %and3A_227 = arith.constant 16383 : i32
        %and3A_228 = vector.broadcast %and3A_227 : i32 to vector<16xi32>
        %and3A_229 = arith.andi %get3A_226, %and3A_228 : vector<16xi32>
        %swap3A_230 = arith.constant 64 : index
        %swap3A_231 = tpu.vector_load %arg9[%swap3A_230] {strides = array<i32>} : memref<96xi32, #tpu.memory_space<vmem>>, vector<16xi32>,
        %swap3A_232 = vector.shape_cast %swap3A_231 : vector<16xi32> to vector<16xi32>
        %swap3A_233 = vector.shape_cast %and3A_229 : vector<16xi32> to vector<16xi32>
        tpu.vector_store %arg9[%swap3A_230], %swap3A_233 {strides = array<i32>} : memref<96xi32, #tpu.memory_space<vmem>>, vector<16xi32>,
        %shift_right_logical3A_234 = arith.constant 14 : i32
        %shift_right_logical3A_235 = vector.broadcast %shift_right_logical3A_234 : i32 to vector<16xi32>
        %shift_right_logical3A_236 = arith.shrui %get3A_226, %shift_right_logical3A_235 : vector<16xi32>
        %swap3A_237 = arith.constant 64 : index
        %swap3A_238 = tpu.vector_load %arg11[%swap3A_237] {strides = array<i32>} : memref<96xi32, #tpu.memory_space<vmem>>, vector<16xi32>,
        %swap3A_239 = vector.shape_cast %swap3A_238 : vector<16xi32> to vector<16xi32>
        %swap3A_240 = vector.shape_cast %shift_right_logical3A_236 : vector<16xi32> to vector<16xi32>
        tpu.vector_store %arg11[%swap3A_237], %swap3A_240 {strides = array<i32>} : memref<96xi32, #tpu.memory_space<vmem>>, vector<16xi32>,
        %mul3A_241 = arith.constant 96 : i32
        %mul3A_242 = arith.muli %mul3A_135, %mul3A_241 : i32
        %add3A_243 = arith.constant 80 : i32
        %add3A_244 = arith.addi %mul3A_242, %add3A_243 : i32
        %get3A_245 = arith.index_cast %add3A_244 : i32 to index
        %get3A_246 = tpu.vector_load %arg8[%get3A_245] {strides = array<i32>} : memref<20064xi32, #tpu.memory_space<vmem>>, vector<16xi32>,
        %get3A_247 = vector.shape_cast %get3A_246 : vector<16xi32> to vector<16xi32>
        %and3A_248 = arith.constant 16383 : i32
        %and3A_249 = vector.broadcast %and3A_248 : i32 to vector<16xi32>
        %and3A_250 = arith.andi %get3A_247, %and3A_249 : vector<16xi32>
        %swap3A_251 = arith.constant 80 : index
        %swap3A_252 = tpu.vector_load %arg9[%swap3A_251] {strides = array<i32>} : memref<96xi32, #tpu.memory_space<vmem>>, vector<16xi32>,
        %swap3A_253 = vector.shape_cast %swap3A_252 : vector<16xi32> to vector<16xi32>
        %swap3A_254 = vector.shape_cast %and3A_250 : vector<16xi32> to vector<16xi32>
        tpu.vector_store %arg9[%swap3A_251], %swap3A_254 {strides = array<i32>} : memref<96xi32, #tpu.memory_space<vmem>>, vector<16xi32>,
        %shift_right_logical3A_255 = arith.constant 14 : i32
        %shift_right_logical3A_256 = vector.broadcast %shift_right_logical3A_255 : i32 to vector<16xi32>
        %shift_right_logical3A_257 = arith.shrui %get3A_247, %shift_right_logical3A_256 : vector<16xi32>
        %swap3A_258 = arith.constant 80 : index
        %swap3A_259 = tpu.vector_load %arg11[%swap3A_258] {strides = array<i32>} : memref<96xi32, #tpu.memory_space<vmem>>, vector<16xi32>,
        %swap3A_260 = vector.shape_cast %swap3A_259 : vector<16xi32> to vector<16xi32>
        %swap3A_261 = vector.shape_cast %shift_right_logical3A_257 : vector<16xi32> to vector<16xi32>
        tpu.vector_store %arg11[%swap3A_258], %swap3A_261 {strides = array<i32>} : memref<96xi32, #tpu.memory_space<vmem>>, vector<16xi32>,
        %add3A_262 = arith.constant 1 : i32
        %add3A_263 = arith.addi %mul3A_135, %add3A_262 : i32
        %mul3A_264 = arith.constant 96 : i32
        %mul3A_265 = arith.muli %add3A_263, %mul3A_264 : i32
        %add3A_266 = arith.constant 0 : i32
        %add3A_267 = arith.addi %mul3A_265, %add3A_266 : i32
        %get3A_268 = arith.index_cast %add3A_267 : i32 to index
        %get3A_269 = tpu.vector_load %arg8[%get3A_268] {strides = array<i32>} : memref<20064xi32, #tpu.memory_space<vmem>>, vector<16xi32>,
        %get3A_270 = vector.shape_cast %get3A_269 : vector<16xi32> to vector<16xi32>
        %and3A_271 = arith.constant 16383 : i32
        %and3A_272 = vector.broadcast %and3A_271 : i32 to vector<16xi32>
        %and3A_273 = arith.andi %get3A_270, %and3A_272 : vector<16xi32>
        %swap3A_274 = arith.constant 0 : index
        %swap3A_275 = tpu.vector_load %arg10[%swap3A_274] {strides = array<i32>} : memref<96xi32, #tpu.memory_space<vmem>>, vector<16xi32>,
        %swap3A_276 = vector.shape_cast %swap3A_275 : vector<16xi32> to vector<16xi32>
        %swap3A_277 = vector.shape_cast %and3A_273 : vector<16xi32> to vector<16xi32>
        tpu.vector_store %arg10[%swap3A_274], %swap3A_277 {strides = array<i32>} : memref<96xi32, #tpu.memory_space<vmem>>, vector<16xi32>,
        %shift_right_logical3A_278 = arith.constant 14 : i32
        %shift_right_logical3A_279 = vector.broadcast %shift_right_logical3A_278 : i32 to vector<16xi32>
        %shift_right_logical3A_280 = arith.shrui %get3A_270, %shift_right_logical3A_279 : vector<16xi32>
        %swap3A_281 = arith.constant 0 : index
        %swap3A_282 = tpu.vector_load %arg12[%swap3A_281] {strides = array<i32>} : memref<96xi32, #tpu.memory_space<vmem>>, vector<16xi32>,
        %swap3A_283 = vector.shape_cast %swap3A_282 : vector<16xi32> to vector<16xi32>
        %swap3A_284 = vector.shape_cast %shift_right_logical3A_280 : vector<16xi32> to vector<16xi32>
        tpu.vector_store %arg12[%swap3A_281], %swap3A_284 {strides = array<i32>} : memref<96xi32, #tpu.memory_space<vmem>>, vector<16xi32>,
        %mul3A_285 = arith.constant 96 : i32
        %mul3A_286 = arith.muli %add3A_263, %mul3A_285 : i32
        %add3A_287 = arith.constant 16 : i32
        %add3A_288 = arith.addi %mul3A_286, %add3A_287 : i32
        %get3A_289 = arith.index_cast %add3A_288 : i32 to index
        %get3A_290 = tpu.vector_load %arg8[%get3A_289] {strides = array<i32>} : memref<20064xi32, #tpu.memory_space<vmem>>, vector<16xi32>,
        %get3A_291 = vector.shape_cast %get3A_290 : vector<16xi32> to vector<16xi32>
        %and3A_292 = arith.constant 16383 : i32
        %and3A_293 = vector.broadcast %and3A_292 : i32 to vector<16xi32>
        %and3A_294 = arith.andi %get3A_291, %and3A_293 : vector<16xi32>
        %swap3A_295 = arith.constant 16 : index
        %swap3A_296 = tpu.vector_load %arg10[%swap3A_295] {strides = array<i32>} : memref<96xi32, #tpu.memory_space<vmem>>, vector<16xi32>,
        %swap3A_297 = vector.shape_cast %swap3A_296 : vector<16xi32> to vector<16xi32>
        %swap3A_298 = vector.shape_cast %and3A_294 : vector<16xi32> to vector<16xi32>
        tpu.vector_store %arg10[%swap3A_295], %swap3A_298 {strides = array<i32>} : memref<96xi32, #tpu.memory_space<vmem>>, vector<16xi32>,
        %shift_right_logical3A_299 = arith.constant 14 : i32
        %shift_right_logical3A_300 = vector.broadcast %shift_right_logical3A_299 : i32 to vector<16xi32>
        %shift_right_logical3A_301 = arith.shrui %get3A_291, %shift_right_logical3A_300 : vector<16xi32>
        %swap3A_302 = arith.constant 16 : index
        %swap3A_303 = tpu.vector_load %arg12[%swap3A_302] {strides = array<i32>} : memref<96xi32, #tpu.memory_space<vmem>>, vector<16xi32>,
        %swap3A_304 = vector.shape_cast %swap3A_303 : vector<16xi32> to vector<16xi32>
        %swap3A_305 = vector.shape_cast %shift_right_logical3A_301 : vector<16xi32> to vector<16xi32>
        tpu.vector_store %arg12[%swap3A_302], %swap3A_305 {strides = array<i32>} : memref<96xi32, #tpu.memory_space<vmem>>, vector<16xi32>,
        %mul3A_306 = arith.constant 96 : i32
        %mul3A_307 = arith.muli %add3A_263, %mul3A_306 : i32
        %add3A_308 = arith.constant 32 : i32
        %add3A_309 = arith.addi %mul3A_307, %add3A_308 : i32
        %get3A_310 = arith.index_cast %add3A_309 : i32 to index
        %get3A_311 = tpu.vector_load %arg8[%get3A_310] {strides = array<i32>} : memref<20064xi32, #tpu.memory_space<vmem>>, vector<16xi32>,
        %get3A_312 = vector.shape_cast %get3A_311 : vector<16xi32> to vector<16xi32>
        %and3A_313 = arith.constant 16383 : i32
        %and3A_314 = vector.broadcast %and3A_313 : i32 to vector<16xi32>
        %and3A_315 = arith.andi %get3A_312, %and3A_314 : vector<16xi32>
        %swap3A_316 = arith.constant 32 : index
        %swap3A_317 = tpu.vector_load %arg10[%swap3A_316] {strides = array<i32>} : memref<96xi32, #tpu.memory_space<vmem>>, vector<16xi32>,
        %swap3A_318 = vector.shape_cast %swap3A_317 : vector<16xi32> to vector<16xi32>
        %swap3A_319 = vector.shape_cast %and3A_315 : vector<16xi32> to vector<16xi32>
        tpu.vector_store %arg10[%swap3A_316], %swap3A_319 {strides = array<i32>} : memref<96xi32, #tpu.memory_space<vmem>>, vector<16xi32>,
        %shift_right_logical3A_320 = arith.constant 14 : i32
        %shift_right_logical3A_321 = vector.broadcast %shift_right_logical3A_320 : i32 to vector<16xi32>
        %shift_right_logical3A_322 = arith.shrui %get3A_312, %shift_right_logical3A_321 : vector<16xi32>
        %swap3A_323 = arith.constant 32 : index
        %swap3A_324 = tpu.vector_load %arg12[%swap3A_323] {strides = array<i32>} : memref<96xi32, #tpu.memory_space<vmem>>, vector<16xi32>,
        %swap3A_325 = vector.shape_cast %swap3A_324 : vector<16xi32> to vector<16xi32>
        %swap3A_326 = vector.shape_cast %shift_right_logical3A_322 : vector<16xi32> to vector<16xi32>
        tpu.vector_store %arg12[%swap3A_323], %swap3A_326 {strides = array<i32>} : memref<96xi32, #tpu.memory_space<vmem>>, vector<16xi32>,
        %mul3A_327 = arith.constant 96 : i32
        %mul3A_328 = arith.muli %add3A_263, %mul3A_327 : i32
        %add3A_329 = arith.constant 48 : i32
        %add3A_330 = arith.addi %mul3A_328, %add3A_329 : i32
        %get3A_331 = arith.index_cast %add3A_330 : i32 to index
        %get3A_332 = tpu.vector_load %arg8[%get3A_331] {strides = array<i32>} : memref<20064xi32, #tpu.memory_space<vmem>>, vector<16xi32>,
        %get3A_333 = vector.shape_cast %get3A_332 : vector<16xi32> to vector<16xi32>
        %and3A_334 = arith.constant 16383 : i32
        %and3A_335 = vector.broadcast %and3A_334 : i32 to vector<16xi32>
        %and3A_336 = arith.andi %get3A_333, %and3A_335 : vector<16xi32>
        %swap3A_337 = arith.constant 48 : index
        %swap3A_338 = tpu.vector_load %arg10[%swap3A_337] {strides = array<i32>} : memref<96xi32, #tpu.memory_space<vmem>>, vector<16xi32>,
        %swap3A_339 = vector.shape_cast %swap3A_338 : vector<16xi32> to vector<16xi32>
        %swap3A_340 = vector.shape_cast %and3A_336 : vector<16xi32> to vector<16xi32>
        tpu.vector_store %arg10[%swap3A_337], %swap3A_340 {strides = array<i32>} : memref<96xi32, #tpu.memory_space<vmem>>, vector<16xi32>,
        %shift_right_logical3A_341 = arith.constant 14 : i32
        %shift_right_logical3A_342 = vector.broadcast %shift_right_logical3A_341 : i32 to vector<16xi32>
        %shift_right_logical3A_343 = arith.shrui %get3A_333, %shift_right_logical3A_342 : vector<16xi32>
        %swap3A_344 = arith.constant 48 : index
        %swap3A_345 = tpu.vector_load %arg12[%swap3A_344] {strides = array<i32>} : memref<96xi32, #tpu.memory_space<vmem>>, vector<16xi32>,
        %swap3A_346 = vector.shape_cast %swap3A_345 : vector<16xi32> to vector<16xi32>
        %swap3A_347 = vector.shape_cast %shift_right_logical3A_343 : vector<16xi32> to vector<16xi32>
        tpu.vector_store %arg12[%swap3A_344], %swap3A_347 {strides = array<i32>} : memref<96xi32, #tpu.memory_space<vmem>>, vector<16xi32>,
        %mul3A_348 = arith.constant 96 : i32
        %mul3A_349 = arith.muli %add3A_263, %mul3A_348 : i32
        %add3A_350 = arith.constant 64 : i32
        %add3A_351 = arith.addi %mul3A_349, %add3A_350 : i32
        %get3A_352 = arith.index_cast %add3A_351 : i32 to index
        %get3A_353 = tpu.vector_load %arg8[%get3A_352] {strides = array<i32>} : memref<20064xi32, #tpu.memory_space<vmem>>, vector<16xi32>,
        %get3A_354 = vector.shape_cast %get3A_353 : vector<16xi32> to vector<16xi32>
        %and3A_355 = arith.constant 16383 : i32
        %and3A_356 = vector.broadcast %and3A_355 : i32 to vector<16xi32>
        %and3A_357 = arith.andi %get3A_354, %and3A_356 : vector<16xi32>
        %swap3A_358 = arith.constant 64 : index
        %swap3A_359 = tpu.vector_load %arg10[%swap3A_358] {strides = array<i32>} : memref<96xi32, #tpu.memory_space<vmem>>, vector<16xi32>,
        %swap3A_360 = vector.shape_cast %swap3A_359 : vector<16xi32> to vector<16xi32>
        %swap3A_361 = vector.shape_cast %and3A_357 : vector<16xi32> to vector<16xi32>
        tpu.vector_store %arg10[%swap3A_358], %swap3A_361 {strides = array<i32>} : memref<96xi32, #tpu.memory_space<vmem>>, vector<16xi32>,
        %shift_right_logical3A_362 = arith.constant 14 : i32
        %shift_right_logical3A_363 = vector.broadcast %shift_right_logical3A_362 : i32 to vector<16xi32>
        %shift_right_logical3A_364 = arith.shrui %get3A_354, %shift_right_logical3A_363 : vector<16xi32>
        %swap3A_365 = arith.constant 64 : index
        %swap3A_366 = tpu.vector_load %arg12[%swap3A_365] {strides = array<i32>} : memref<96xi32, #tpu.memory_space<vmem>>, vector<16xi32>,
        %swap3A_367 = vector.shape_cast %swap3A_366 : vector<16xi32> to vector<16xi32>
        %swap3A_368 = vector.shape_cast %shift_right_logical3A_364 : vector<16xi32> to vector<16xi32>
        tpu.vector_store %arg12[%swap3A_365], %swap3A_368 {strides = array<i32>} : memref<96xi32, #tpu.memory_space<vmem>>, vector<16xi32>,
        %mul3A_369 = arith.constant 96 : i32
        %mul3A_370 = arith.muli %add3A_263, %mul3A_369 : i32
        %add3A_371 = arith.constant 80 : i32
        %add3A_372 = arith.addi %mul3A_370, %add3A_371 : i32
        %get3A_373 = arith.index_cast %add3A_372 : i32 to index
        %get3A_374 = tpu.vector_load %arg8[%get3A_373] {strides = array<i32>} : memref<20064xi32, #tpu.memory_space<vmem>>, vector<16xi32>,
        %get3A_375 = vector.shape_cast %get3A_374 : vector<16xi32> to vector<16xi32>
        %and3A_376 = arith.constant 16383 : i32
        %and3A_377 = vector.broadcast %and3A_376 : i32 to vector<16xi32>
        %and3A_378 = arith.andi %get3A_375, %and3A_377 : vector<16xi32>
        %swap3A_379 = arith.constant 80 : index
        %swap3A_380 = tpu.vector_load %arg10[%swap3A_379] {strides = array<i32>} : memref<96xi32, #tpu.memory_space<vmem>>, vector<16xi32>,
        %swap3A_381 = vector.shape_cast %swap3A_380 : vector<16xi32> to vector<16xi32>
        %swap3A_382 = vector.shape_cast %and3A_378 : vector<16xi32> to vector<16xi32>
        tpu.vector_store %arg10[%swap3A_379], %swap3A_382 {strides = array<i32>} : memref<96xi32, #tpu.memory_space<vmem>>, vector<16xi32>,
        %shift_right_logical3A_383 = arith.constant 14 : i32
        %shift_right_logical3A_384 = vector.broadcast %shift_right_logical3A_383 : i32 to vector<16xi32>
        %shift_right_logical3A_385 = arith.shrui %get3A_375, %shift_right_logical3A_384 : vector<16xi32>
        %swap3A_386 = arith.constant 80 : index
        %swap3A_387 = tpu.vector_load %arg12[%swap3A_386] {strides = array<i32>} : memref<96xi32, #tpu.memory_space<vmem>>, vector<16xi32>,
        %swap3A_388 = vector.shape_cast %swap3A_387 : vector<16xi32> to vector<16xi32>
        %swap3A_389 = vector.shape_cast %shift_right_logical3A_385 : vector<16xi32> to vector<16xi32>
        tpu.vector_store %arg12[%swap3A_386], %swap3A_389 {strides = array<i32>} : memref<96xi32, #tpu.memory_space<vmem>>, vector<16xi32>,
        %dma_start3A = arith.constant 0 : i32
        %dma_start3A_390 = arith.constant 0 : i32
        %dma_start3A_391 = tpu.memref_slice %arg2[%dma_start3A, %dma_start3A_390] : memref<10000x128xf32, #tpu.memory_space<hbm>> -> memref<10000x128xf32, #tpu.memory_space<hbm>>
        tpu.enqueue_indirect_dma source(%dma_start3A_391 : memref<10000x128xf32, #tpu.memory_space<hbm>>) target(%arg13 : memref<96x128xf32, #tpu.memory_space<vmem>>) offsets(%arg9 : memref<96xi32, #tpu.memory_space<vmem>>) semaphore(%arg16 : memref<!tpu.dma_semaphore, #tpu.memory_space<semaphore_mem>>)
        %dma_start3A_392 = arith.constant 0 : i32
        %dma_start3A_393 = arith.constant 0 : i32
        %dma_start3A_394 = tpu.memref_slice %arg2[%dma_start3A_392, %dma_start3A_393] : memref<10000x128xf32, #tpu.memory_space<hbm>> -> memref<10000x128xf32, #tpu.memory_space<hbm>>
        tpu.enqueue_indirect_dma source(%dma_start3A_394 : memref<10000x128xf32, #tpu.memory_space<hbm>>) target(%arg14 : memref<96x128xf32, #tpu.memory_space<vmem>>) offsets(%arg10 : memref<96xi32, #tpu.memory_space<vmem>>) semaphore(%arg17 : memref<!tpu.dma_semaphore, #tpu.memory_space<semaphore_mem>>)
        %dma_wait3A_395 = arith.constant 0 : i32
        %dma_wait3A_396 = arith.constant 0 : i32
        %dma_wait3A_397 = tpu.memref_slice %arg2[%dma_wait3A_395, %dma_wait3A_396] : memref<10000x128xf32, #tpu.memory_space<hbm>> -> memref<10000x128xf32, #tpu.memory_space<hbm>>
        tpu.wait_indirect_dma semaphore(%arg16 : memref<!tpu.dma_semaphore, #tpu.memory_space<semaphore_mem>>) src(%dma_wait3A_397 : memref<10000x128xf32, #tpu.memory_space<hbm>>) dst(%arg13 : memref<96x128xf32, #tpu.memory_space<vmem>>)
        %dma_start3A_398 = arith.constant 0 : i32
        %dma_start3A_399 = arith.constant 0 : i32
        %dma_start3A_400 = tpu.memref_slice %arg15[%dma_start3A_398, %dma_start3A_399] : memref<10112x128xf32, #tpu.memory_space<vmem_shared>> -> memref<10112x128xf32, #tpu.memory_space<vmem_shared>>
        tpu.enqueue_indirect_dma source(%arg13 : memref<96x128xf32, #tpu.memory_space<vmem>>) target(%dma_start3A_400 : memref<10112x128xf32, #tpu.memory_space<vmem_shared>>) offsets(%arg11 : memref<96xi32, #tpu.memory_space<vmem>>) semaphore(%arg18 : memref<!tpu.dma_semaphore, #tpu.memory_space<semaphore_mem>>) {add = true}
        %dma_wait3A_401 = arith.constant 0 : i32
        %dma_wait3A_402 = arith.constant 0 : i32
        %dma_wait3A_403 = tpu.memref_slice %arg2[%dma_wait3A_401, %dma_wait3A_402] : memref<10000x128xf32, #tpu.memory_space<hbm>> -> memref<10000x128xf32, #tpu.memory_space<hbm>>
        tpu.wait_indirect_dma semaphore(%arg17 : memref<!tpu.dma_semaphore, #tpu.memory_space<semaphore_mem>>) src(%dma_wait3A_403 : memref<10000x128xf32, #tpu.memory_space<hbm>>) dst(%arg14 : memref<96x128xf32, #tpu.memory_space<vmem>>)
        %dma_start3A_404 = arith.constant 0 : i32
        %dma_start3A_405 = arith.constant 0 : i32
        %dma_start3A_406 = tpu.memref_slice %arg15[%dma_start3A_404, %dma_start3A_405] : memref<10112x128xf32, #tpu.memory_space<vmem_shared>> -> memref<10112x128xf32, #tpu.memory_space<vmem_shared>>
        tpu.enqueue_indirect_dma source(%arg14 : memref<96x128xf32, #tpu.memory_space<vmem>>) target(%dma_start3A_406 : memref<10112x128xf32, #tpu.memory_space<vmem_shared>>) offsets(%arg12 : memref<96xi32, #tpu.memory_space<vmem>>) semaphore(%arg19 : memref<!tpu.dma_semaphore, #tpu.memory_space<semaphore_mem>>) {add = true}
      }
      %scan3A_22 = arith.constant 104 : i32
      %dma_wait3A = arith.constant 0 : i32
      %dma_wait3A_23 = arith.constant 0 : i32
      %dma_wait3A_24 = tpu.memref_slice %arg15[%dma_wait3A, %dma_wait3A_23] : memref<10112x128xf32, #tpu.memory_space<vmem_shared>> -> memref<10112x128xf32, #tpu.memory_space<vmem_shared>>
      tpu.wait_indirect_dma semaphore(%arg18 : memref<!tpu.dma_semaphore, #tpu.memory_space<semaphore_mem>>) src(%arg13 : memref<96x128xf32, #tpu.memory_space<vmem>>) dst(%dma_wait3A_24 : memref<10112x128xf32, #tpu.memory_space<vmem_shared>>)
      %dma_wait3A_25 = arith.constant 0 : i32
      %dma_wait3A_26 = arith.constant 0 : i32
      %dma_wait3A_27 = tpu.memref_slice %arg15[%dma_wait3A_25, %dma_wait3A_26] : memref<10112x128xf32, #tpu.memory_space<vmem_shared>> -> memref<10112x128xf32, #tpu.memory_space<vmem_shared>>
      tpu.wait_indirect_dma semaphore(%arg19 : memref<!tpu.dma_semaphore, #tpu.memory_space<semaphore_mem>>) src(%arg14 : memref<96x128xf32, #tpu.memory_space<vmem>>) dst(%dma_wait3A_27 : memref<10112x128xf32, #tpu.memory_space<vmem_shared>>)
      %get3A = arith.constant 19968 : index
      %get3A_28 = tpu.vector_load %arg8[%get3A] {strides = array<i32>} : memref<20064xi32, #tpu.memory_space<vmem>>, vector<16xi32>,
      %get3A_29 = vector.shape_cast %get3A_28 : vector<16xi32> to vector<16xi32>
      %and3A = arith.constant 16383 : i32
      %and3A_30 = vector.broadcast %and3A : i32 to vector<16xi32>
      %and3A_31 = arith.andi %get3A_29, %and3A_30 : vector<16xi32>
      %swap3A = arith.constant 0 : index
      %swap3A_32 = tpu.vector_load %arg9[%swap3A] {strides = array<i32>} : memref<96xi32, #tpu.memory_space<vmem>>, vector<16xi32>,
      %swap3A_33 = vector.shape_cast %swap3A_32 : vector<16xi32> to vector<16xi32>
      %swap3A_34 = vector.shape_cast %and3A_31 : vector<16xi32> to vector<16xi32>
      tpu.vector_store %arg9[%swap3A], %swap3A_34 {strides = array<i32>} : memref<96xi32, #tpu.memory_space<vmem>>, vector<16xi32>,
      %shift_right_logical3A = arith.constant 14 : i32
      %shift_right_logical3A_35 = vector.broadcast %shift_right_logical3A : i32 to vector<16xi32>
      %shift_right_logical3A_36 = arith.shrui %get3A_29, %shift_right_logical3A_35 : vector<16xi32>
      %swap3A_37 = arith.constant 0 : index
      %swap3A_38 = tpu.vector_load %arg11[%swap3A_37] {strides = array<i32>} : memref<96xi32, #tpu.memory_space<vmem>>, vector<16xi32>,
      %swap3A_39 = vector.shape_cast %swap3A_38 : vector<16xi32> to vector<16xi32>
      %swap3A_40 = vector.shape_cast %shift_right_logical3A_36 : vector<16xi32> to vector<16xi32>
      tpu.vector_store %arg11[%swap3A_37], %swap3A_40 {strides = array<i32>} : memref<96xi32, #tpu.memory_space<vmem>>, vector<16xi32>,
      %get3A_41 = arith.constant 19984 : index
      %get3A_42 = tpu.vector_load %arg8[%get3A_41] {strides = array<i32>} : memref<20064xi32, #tpu.memory_space<vmem>>, vector<16xi32>,
      %get3A_43 = vector.shape_cast %get3A_42 : vector<16xi32> to vector<16xi32>
      %and3A_44 = arith.constant 16383 : i32
      %and3A_45 = vector.broadcast %and3A_44 : i32 to vector<16xi32>
      %and3A_46 = arith.andi %get3A_43, %and3A_45 : vector<16xi32>
      %swap3A_47 = arith.constant 16 : index
      %swap3A_48 = tpu.vector_load %arg9[%swap3A_47] {strides = array<i32>} : memref<96xi32, #tpu.memory_space<vmem>>, vector<16xi32>,
      %swap3A_49 = vector.shape_cast %swap3A_48 : vector<16xi32> to vector<16xi32>
      %swap3A_50 = vector.shape_cast %and3A_46 : vector<16xi32> to vector<16xi32>
      tpu.vector_store %arg9[%swap3A_47], %swap3A_50 {strides = array<i32>} : memref<96xi32, #tpu.memory_space<vmem>>, vector<16xi32>,
      %shift_right_logical3A_51 = arith.constant 14 : i32
      %shift_right_logical3A_52 = vector.broadcast %shift_right_logical3A_51 : i32 to vector<16xi32>
      %shift_right_logical3A_53 = arith.shrui %get3A_43, %shift_right_logical3A_52 : vector<16xi32>
      %swap3A_54 = arith.constant 16 : index
      %swap3A_55 = tpu.vector_load %arg11[%swap3A_54] {strides = array<i32>} : memref<96xi32, #tpu.memory_space<vmem>>, vector<16xi32>,
      %swap3A_56 = vector.shape_cast %swap3A_55 : vector<16xi32> to vector<16xi32>
      %swap3A_57 = vector.shape_cast %shift_right_logical3A_53 : vector<16xi32> to vector<16xi32>
      tpu.vector_store %arg11[%swap3A_54], %swap3A_57 {strides = array<i32>} : memref<96xi32, #tpu.memory_space<vmem>>, vector<16xi32>,
      %get3A_58 = arith.constant 20000 : index
      %get3A_59 = tpu.vector_load %arg8[%get3A_58] {strides = array<i32>} : memref<20064xi32, #tpu.memory_space<vmem>>, vector<16xi32>,
      %get3A_60 = vector.shape_cast %get3A_59 : vector<16xi32> to vector<16xi32>
      %and3A_61 = arith.constant 16383 : i32
      %and3A_62 = vector.broadcast %and3A_61 : i32 to vector<16xi32>
      %and3A_63 = arith.andi %get3A_60, %and3A_62 : vector<16xi32>
      %swap3A_64 = arith.constant 32 : index
      %swap3A_65 = tpu.vector_load %arg9[%swap3A_64] {strides = array<i32>} : memref<96xi32, #tpu.memory_space<vmem>>, vector<16xi32>,
      %swap3A_66 = vector.shape_cast %swap3A_65 : vector<16xi32> to vector<16xi32>
      %swap3A_67 = vector.shape_cast %and3A_63 : vector<16xi32> to vector<16xi32>
      tpu.vector_store %arg9[%swap3A_64], %swap3A_67 {strides = array<i32>} : memref<96xi32, #tpu.memory_space<vmem>>, vector<16xi32>,
      %shift_right_logical3A_68 = arith.constant 14 : i32
      %shift_right_logical3A_69 = vector.broadcast %shift_right_logical3A_68 : i32 to vector<16xi32>
      %shift_right_logical3A_70 = arith.shrui %get3A_60, %shift_right_logical3A_69 : vector<16xi32>
      %swap3A_71 = arith.constant 32 : index
      %swap3A_72 = tpu.vector_load %arg11[%swap3A_71] {strides = array<i32>} : memref<96xi32, #tpu.memory_space<vmem>>, vector<16xi32>,
      %swap3A_73 = vector.shape_cast %swap3A_72 : vector<16xi32> to vector<16xi32>
      %swap3A_74 = vector.shape_cast %shift_right_logical3A_70 : vector<16xi32> to vector<16xi32>
      tpu.vector_store %arg11[%swap3A_71], %swap3A_74 {strides = array<i32>} : memref<96xi32, #tpu.memory_space<vmem>>, vector<16xi32>,
      %get3A_75 = arith.constant 20016 : index
      %get3A_76 = tpu.vector_load %arg8[%get3A_75] {strides = array<i32>} : memref<20064xi32, #tpu.memory_space<vmem>>, vector<16xi32>,
      %get3A_77 = vector.shape_cast %get3A_76 : vector<16xi32> to vector<16xi32>
      %and3A_78 = arith.constant 16383 : i32
      %and3A_79 = vector.broadcast %and3A_78 : i32 to vector<16xi32>
      %and3A_80 = arith.andi %get3A_77, %and3A_79 : vector<16xi32>
      %swap3A_81 = arith.constant 48 : index
      %swap3A_82 = tpu.vector_load %arg9[%swap3A_81] {strides = array<i32>} : memref<96xi32, #tpu.memory_space<vmem>>, vector<16xi32>,
      %swap3A_83 = vector.shape_cast %swap3A_82 : vector<16xi32> to vector<16xi32>
      %swap3A_84 = vector.shape_cast %and3A_80 : vector<16xi32> to vector<16xi32>
      tpu.vector_store %arg9[%swap3A_81], %swap3A_84 {strides = array<i32>} : memref<96xi32, #tpu.memory_space<vmem>>, vector<16xi32>,
      %shift_right_logical3A_85 = arith.constant 14 : i32
      %shift_right_logical3A_86 = vector.broadcast %shift_right_logical3A_85 : i32 to vector<16xi32>
      %shift_right_logical3A_87 = arith.shrui %get3A_77, %shift_right_logical3A_86 : vector<16xi32>
      %swap3A_88 = arith.constant 48 : index
      %swap3A_89 = tpu.vector_load %arg11[%swap3A_88] {strides = array<i32>} : memref<96xi32, #tpu.memory_space<vmem>>, vector<16xi32>,
      %swap3A_90 = vector.shape_cast %swap3A_89 : vector<16xi32> to vector<16xi32>
      %swap3A_91 = vector.shape_cast %shift_right_logical3A_87 : vector<16xi32> to vector<16xi32>
      tpu.vector_store %arg11[%swap3A_88], %swap3A_91 {strides = array<i32>} : memref<96xi32, #tpu.memory_space<vmem>>, vector<16xi32>,
      %get3A_92 = arith.constant 20032 : index
      %get3A_93 = tpu.vector_load %arg8[%get3A_92] {strides = array<i32>} : memref<20064xi32, #tpu.memory_space<vmem>>, vector<16xi32>,
      %get3A_94 = vector.shape_cast %get3A_93 : vector<16xi32> to vector<16xi32>
      %and3A_95 = arith.constant 16383 : i32
      %and3A_96 = vector.broadcast %and3A_95 : i32 to vector<16xi32>
      %and3A_97 = arith.andi %get3A_94, %and3A_96 : vector<16xi32>
      %swap3A_98 = arith.constant 64 : index
      %swap3A_99 = tpu.vector_load %arg9[%swap3A_98] {strides = array<i32>} : memref<96xi32, #tpu.memory_space<vmem>>, vector<16xi32>,
      %swap3A_100 = vector.shape_cast %swap3A_99 : vector<16xi32> to vector<16xi32>
      %swap3A_101 = vector.shape_cast %and3A_97 : vector<16xi32> to vector<16xi32>
      tpu.vector_store %arg9[%swap3A_98], %swap3A_101 {strides = array<i32>} : memref<96xi32, #tpu.memory_space<vmem>>, vector<16xi32>,
      %shift_right_logical3A_102 = arith.constant 14 : i32
      %shift_right_logical3A_103 = vector.broadcast %shift_right_logical3A_102 : i32 to vector<16xi32>
      %shift_right_logical3A_104 = arith.shrui %get3A_94, %shift_right_logical3A_103 : vector<16xi32>
      %swap3A_105 = arith.constant 64 : index
      %swap3A_106 = tpu.vector_load %arg11[%swap3A_105] {strides = array<i32>} : memref<96xi32, #tpu.memory_space<vmem>>, vector<16xi32>,
      %swap3A_107 = vector.shape_cast %swap3A_106 : vector<16xi32> to vector<16xi32>
      %swap3A_108 = vector.shape_cast %shift_right_logical3A_104 : vector<16xi32> to vector<16xi32>
      tpu.vector_store %arg11[%swap3A_105], %swap3A_108 {strides = array<i32>} : memref<96xi32, #tpu.memory_space<vmem>>, vector<16xi32>,
      %get3A_109 = arith.constant 20048 : index
      %get3A_110 = tpu.vector_load %arg8[%get3A_109] {strides = array<i32>} : memref<20064xi32, #tpu.memory_space<vmem>>, vector<16xi32>,
      %get3A_111 = vector.shape_cast %get3A_110 : vector<16xi32> to vector<16xi32>
      %and3A_112 = arith.constant 16383 : i32
      %and3A_113 = vector.broadcast %and3A_112 : i32 to vector<16xi32>
      %and3A_114 = arith.andi %get3A_111, %and3A_113 : vector<16xi32>
      %swap3A_115 = arith.constant 80 : index
      %swap3A_116 = tpu.vector_load %arg9[%swap3A_115] {strides = array<i32>} : memref<96xi32, #tpu.memory_space<vmem>>, vector<16xi32>,
      %swap3A_117 = vector.shape_cast %swap3A_116 : vector<16xi32> to vector<16xi32>
      %swap3A_118 = vector.shape_cast %and3A_114 : vector<16xi32> to vector<16xi32>
      tpu.vector_store %arg9[%swap3A_115], %swap3A_118 {strides = array<i32>} : memref<96xi32, #tpu.memory_space<vmem>>, vector<16xi32>,
      %shift_right_logical3A_119 = arith.constant 14 : i32
      %shift_right_logical3A_120 = vector.broadcast %shift_right_logical3A_119 : i32 to vector<16xi32>
      %shift_right_logical3A_121 = arith.shrui %get3A_111, %shift_right_logical3A_120 : vector<16xi32>
      %swap3A_122 = arith.constant 80 : index
      %swap3A_123 = tpu.vector_load %arg11[%swap3A_122] {strides = array<i32>} : memref<96xi32, #tpu.memory_space<vmem>>, vector<16xi32>,
      %swap3A_124 = vector.shape_cast %swap3A_123 : vector<16xi32> to vector<16xi32>
      %swap3A_125 = vector.shape_cast %shift_right_logical3A_121 : vector<16xi32> to vector<16xi32>
      tpu.vector_store %arg11[%swap3A_122], %swap3A_125 {strides = array<i32>} : memref<96xi32, #tpu.memory_space<vmem>>, vector<16xi32>,
      "tpu.region"() ({
        %run_scoped3A = tpu.sem_alloc : memref<!tpu.dma_semaphore, #tpu.memory_space<semaphore_mem>>
        %dma_start3A = arith.constant 0 : i32
        %dma_start3A_126 = arith.constant 0 : i32
        %dma_start3A_127 = tpu.memref_slice %arg2[%dma_start3A, %dma_start3A_126] : memref<10000x128xf32, #tpu.memory_space<hbm>> -> memref<10000x128xf32, #tpu.memory_space<hbm>>
        tpu.enqueue_indirect_dma source(%dma_start3A_127 : memref<10000x128xf32, #tpu.memory_space<hbm>>) target(%arg13 : memref<96x128xf32, #tpu.memory_space<vmem>>) offsets(%arg9 : memref<96xi32, #tpu.memory_space<vmem>>) semaphore(%run_scoped3A : memref<!tpu.dma_semaphore, #tpu.memory_space<semaphore_mem>>)
        %dma_wait3A_128 = arith.constant 0 : i32
        %dma_wait3A_129 = arith.constant 0 : i32
        %dma_wait3A_130 = tpu.memref_slice %arg2[%dma_wait3A_128, %dma_wait3A_129] : memref<10000x128xf32, #tpu.memory_space<hbm>> -> memref<10000x128xf32, #tpu.memory_space<hbm>>
        tpu.wait_indirect_dma semaphore(%run_scoped3A : memref<!tpu.dma_semaphore, #tpu.memory_space<semaphore_mem>>) src(%dma_wait3A_130 : memref<10000x128xf32, #tpu.memory_space<hbm>>) dst(%arg13 : memref<96x128xf32, #tpu.memory_space<vmem>>)
        tpu.yield
      }) : () -> ()
      "tpu.region"() ({
        %run_scoped3A = tpu.sem_alloc : memref<!tpu.dma_semaphore, #tpu.memory_space<semaphore_mem>>
        %dma_start3A = arith.constant 0 : i32
        %dma_start3A_126 = arith.constant 0 : i32
        %dma_start3A_127 = tpu.memref_slice %arg15[%dma_start3A, %dma_start3A_126] : memref<10112x128xf32, #tpu.memory_space<vmem_shared>> -> memref<10112x128xf32, #tpu.memory_space<vmem_shared>>
        tpu.enqueue_indirect_dma source(%arg13 : memref<96x128xf32, #tpu.memory_space<vmem>>) target(%dma_start3A_127 : memref<10112x128xf32, #tpu.memory_space<vmem_shared>>) offsets(%arg11 : memref<96xi32, #tpu.memory_space<vmem>>) semaphore(%run_scoped3A : memref<!tpu.dma_semaphore, #tpu.memory_space<semaphore_mem>>) {add = true}
        %dma_wait3A_128 = arith.constant 0 : i32
        %dma_wait3A_129 = arith.constant 0 : i32
        %dma_wait3A_130 = tpu.memref_slice %arg15[%dma_wait3A_128, %dma_wait3A_129] : memref<10112x128xf32, #tpu.memory_space<vmem_shared>> -> memref<10112x128xf32, #tpu.memory_space<vmem_shared>>
        tpu.wait_indirect_dma semaphore(%run_scoped3A : memref<!tpu.dma_semaphore, #tpu.memory_space<semaphore_mem>>) src(%arg13 : memref<96x128xf32, #tpu.memory_space<vmem>>) dst(%dma_wait3A_130 : memref<10112x128xf32, #tpu.memory_space<vmem_shared>>)
        tpu.yield
      }) : () -> ()
    } else {
    }
    %eq3A_3 = arith.constant 1 : i32
    %eq3A_4 = arith.cmpi eq, %arg0, %eq3A_3 : i32
    %convert_element_type3A_5 = arith.extui %eq3A_4 : i1 to i32
    %cond3A_6 = arith.constant 0 : i32
    %cond3A_7 = arith.cmpi ne, %convert_element_type3A_5, %cond3A_6 : i32
    scf.if %cond3A_7 {
      "tpu.region"() ({
        %run_scoped3A = tpu.sem_alloc : memref<!tpu.dma_semaphore, #tpu.memory_space<semaphore_mem>>
        %dma_start3A = arith.constant 0 : i32
        %dma_start3A_126 = tpu.memref_slice %arg4[%arg1, %dma_start3A] : memref<16x20064xi32, #tpu.memory_space<hbm>> -> memref<1x20064xi32, #tpu.memory_space<hbm>>
        %dma_start3A_127 = tpu.memref_squeeze %dma_start3A_126 : memref<1x20064xi32, #tpu.memory_space<hbm>> -> memref<20064xi32, #tpu.memory_space<hbm>>
        %dma_start3A_128 = arith.constant 0 : i32
        %dma_start3A_129 = tpu.memref_slice %arg4[%arg1, %dma_start3A_128] : memref<16x20064xi32, #tpu.memory_space<hbm>> -> memref<1x20064xi32, #tpu.memory_space<hbm>>
        %dma_start3A_130 = tpu.memref_squeeze %dma_start3A_129 : memref<1x20064xi32, #tpu.memory_space<hbm>> -> memref<20064xi32, #tpu.memory_space<hbm>>
        tpu.enqueue_dma source(%dma_start3A_130 : memref<20064xi32, #tpu.memory_space<hbm>>) target(%arg8 : memref<20064xi32, #tpu.memory_space<vmem>>) target_semaphore(%run_scoped3A : memref<!tpu.dma_semaphore, #tpu.memory_space<semaphore_mem>>)
        %dma_wait3A_131 = arith.constant 0 : i32
        %dma_wait3A_132 = tpu.memref_slice %arg4[%arg1, %dma_wait3A_131] : memref<16x20064xi32, #tpu.memory_space<hbm>> -> memref<1x20064xi32, #tpu.memory_space<hbm>>
        %dma_wait3A_133 = tpu.memref_squeeze %dma_wait3A_132 : memref<1x20064xi32, #tpu.memory_space<hbm>> -> memref<20064xi32, #tpu.memory_space<hbm>>
        %dma_wait3A_134 = arith.constant 0 : i32
        %dma_wait3A_135 = tpu.memref_slice %arg4[%arg1, %dma_wait3A_134] : memref<16x20064xi32, #tpu.memory_space<hbm>> -> memref<1x20064xi32, #tpu.memory_space<hbm>>
        %dma_wait3A_136 = tpu.memref_squeeze %dma_wait3A_135 : memref<1x20064xi32, #tpu.memory_space<hbm>> -> memref<20064xi32, #tpu.memory_space<hbm>>
        tpu.wait_dma2 semaphore(%run_scoped3A : memref<!tpu.dma_semaphore, #tpu.memory_space<semaphore_mem>>) src(%dma_wait3A_136 : memref<20064xi32, #tpu.memory_space<hbm>>) dst(%arg8 : memref<20064xi32, #tpu.memory_space<vmem>>)
        tpu.yield
      }) : () -> ()
      %scan3A = arith.constant 0 : i32
      %scan3A_19 = arith.constant 104 : i32
      %scan3A_20 = arith.addi %scan3A, %scan3A_19 : i32
      %scan3A_21 = arith.constant 1 : i32
      scf.for %scan3A_126 = %scan3A to %scan3A_20 step %scan3A_21  : i32 {
        %mul3A_127 = arith.constant 1 : i32
        %mul3A_128 = arith.muli %scan3A_126, %mul3A_127 : i32
        %add3A = arith.constant 0 : i32
        %add3A_129 = arith.addi %add3A, %mul3A_128 : i32
        %gt3A = arith.constant 0 : i32
        %gt3A_130 = arith.cmpi sgt, %add3A_129, %gt3A : i32
        %convert_element_type3A_131 = arith.extui %gt3A_130 : i1 to i32
        %cond3A_132 = arith.constant 0 : i32
        %cond3A_133 = arith.cmpi ne, %convert_element_type3A_131, %cond3A_132 : i32
        scf.if %cond3A_133 {
          %dma_wait3A_407 = arith.constant 0 : i32
          %dma_wait3A_408 = arith.constant 0 : i32
          %dma_wait3A_409 = tpu.memref_slice %arg15[%dma_wait3A_407, %dma_wait3A_408] : memref<10112x128xf32, #tpu.memory_space<vmem_shared>> -> memref<10112x128xf32, #tpu.memory_space<vmem_shared>>
          tpu.wait_indirect_dma semaphore(%arg18 : memref<!tpu.dma_semaphore, #tpu.memory_space<semaphore_mem>>) src(%arg13 : memref<96x128xf32, #tpu.memory_space<vmem>>) dst(%dma_wait3A_409 : memref<10112x128xf32, #tpu.memory_space<vmem_shared>>)
          %dma_wait3A_410 = arith.constant 0 : i32
          %dma_wait3A_411 = arith.constant 0 : i32
          %dma_wait3A_412 = tpu.memref_slice %arg15[%dma_wait3A_410, %dma_wait3A_411] : memref<10112x128xf32, #tpu.memory_space<vmem_shared>> -> memref<10112x128xf32, #tpu.memory_space<vmem_shared>>
          tpu.wait_indirect_dma semaphore(%arg19 : memref<!tpu.dma_semaphore, #tpu.memory_space<semaphore_mem>>) src(%arg14 : memref<96x128xf32, #tpu.memory_space<vmem>>) dst(%dma_wait3A_412 : memref<10112x128xf32, #tpu.memory_space<vmem_shared>>)
        } else {
        }
        %mul3A_134 = arith.constant 2 : i32
        %mul3A_135 = arith.muli %add3A_129, %mul3A_134 : i32
        %mul3A_136 = arith.constant 96 : i32
        %mul3A_137 = arith.muli %mul3A_135, %mul3A_136 : i32
        %add3A_138 = arith.constant 0 : i32
        %add3A_139 = arith.addi %mul3A_137, %add3A_138 : i32
        %get3A_140 = arith.index_cast %add3A_139 : i32 to index
        %get3A_141 = tpu.vector_load %arg8[%get3A_140] {strides = array<i32>} : memref<20064xi32, #tpu.memory_space<vmem>>, vector<16xi32>,
        %get3A_142 = vector.shape_cast %get3A_141 : vector<16xi32> to vector<16xi32>
        %and3A_143 = arith.constant 16383 : i32
        %and3A_144 = vector.broadcast %and3A_143 : i32 to vector<16xi32>
        %and3A_145 = arith.andi %get3A_142, %and3A_144 : vector<16xi32>
        %swap3A_146 = arith.constant 0 : index
        %swap3A_147 = tpu.vector_load %arg9[%swap3A_146] {strides = array<i32>} : memref<96xi32, #tpu.memory_space<vmem>>, vector<16xi32>,
        %swap3A_148 = vector.shape_cast %swap3A_147 : vector<16xi32> to vector<16xi32>
        %swap3A_149 = vector.shape_cast %and3A_145 : vector<16xi32> to vector<16xi32>
        tpu.vector_store %arg9[%swap3A_146], %swap3A_149 {strides = array<i32>} : memref<96xi32, #tpu.memory_space<vmem>>, vector<16xi32>,
        %shift_right_logical3A_150 = arith.constant 14 : i32
        %shift_right_logical3A_151 = vector.broadcast %shift_right_logical3A_150 : i32 to vector<16xi32>
        %shift_right_logical3A_152 = arith.shrui %get3A_142, %shift_right_logical3A_151 : vector<16xi32>
        %swap3A_153 = arith.constant 0 : index
        %swap3A_154 = tpu.vector_load %arg11[%swap3A_153] {strides = array<i32>} : memref<96xi32, #tpu.memory_space<vmem>>, vector<16xi32>,
        %swap3A_155 = vector.shape_cast %swap3A_154 : vector<16xi32> to vector<16xi32>
        %swap3A_156 = vector.shape_cast %shift_right_logical3A_152 : vector<16xi32> to vector<16xi32>
        tpu.vector_store %arg11[%swap3A_153], %swap3A_156 {strides = array<i32>} : memref<96xi32, #tpu.memory_space<vmem>>, vector<16xi32>,
        %mul3A_157 = arith.constant 96 : i32
        %mul3A_158 = arith.muli %mul3A_135, %mul3A_157 : i32
        %add3A_159 = arith.constant 16 : i32
        %add3A_160 = arith.addi %mul3A_158, %add3A_159 : i32
        %get3A_161 = arith.index_cast %add3A_160 : i32 to index
        %get3A_162 = tpu.vector_load %arg8[%get3A_161] {strides = array<i32>} : memref<20064xi32, #tpu.memory_space<vmem>>, vector<16xi32>,
        %get3A_163 = vector.shape_cast %get3A_162 : vector<16xi32> to vector<16xi32>
        %and3A_164 = arith.constant 16383 : i32
        %and3A_165 = vector.broadcast %and3A_164 : i32 to vector<16xi32>
        %and3A_166 = arith.andi %get3A_163, %and3A_165 : vector<16xi32>
        %swap3A_167 = arith.constant 16 : index
        %swap3A_168 = tpu.vector_load %arg9[%swap3A_167] {strides = array<i32>} : memref<96xi32, #tpu.memory_space<vmem>>, vector<16xi32>,
        %swap3A_169 = vector.shape_cast %swap3A_168 : vector<16xi32> to vector<16xi32>
        %swap3A_170 = vector.shape_cast %and3A_166 : vector<16xi32> to vector<16xi32>
        tpu.vector_store %arg9[%swap3A_167], %swap3A_170 {strides = array<i32>} : memref<96xi32, #tpu.memory_space<vmem>>, vector<16xi32>,
        %shift_right_logical3A_171 = arith.constant 14 : i32
        %shift_right_logical3A_172 = vector.broadcast %shift_right_logical3A_171 : i32 to vector<16xi32>
        %shift_right_logical3A_173 = arith.shrui %get3A_163, %shift_right_logical3A_172 : vector<16xi32>
        %swap3A_174 = arith.constant 16 : index
        %swap3A_175 = tpu.vector_load %arg11[%swap3A_174] {strides = array<i32>} : memref<96xi32, #tpu.memory_space<vmem>>, vector<16xi32>,
        %swap3A_176 = vector.shape_cast %swap3A_175 : vector<16xi32> to vector<16xi32>
        %swap3A_177 = vector.shape_cast %shift_right_logical3A_173 : vector<16xi32> to vector<16xi32>
        tpu.vector_store %arg11[%swap3A_174], %swap3A_177 {strides = array<i32>} : memref<96xi32, #tpu.memory_space<vmem>>, vector<16xi32>,
        %mul3A_178 = arith.constant 96 : i32
        %mul3A_179 = arith.muli %mul3A_135, %mul3A_178 : i32
        %add3A_180 = arith.constant 32 : i32
        %add3A_181 = arith.addi %mul3A_179, %add3A_180 : i32
        %get3A_182 = arith.index_cast %add3A_181 : i32 to index
        %get3A_183 = tpu.vector_load %arg8[%get3A_182] {strides = array<i32>} : memref<20064xi32, #tpu.memory_space<vmem>>, vector<16xi32>,
        %get3A_184 = vector.shape_cast %get3A_183 : vector<16xi32> to vector<16xi32>
        %and3A_185 = arith.constant 16383 : i32
        %and3A_186 = vector.broadcast %and3A_185 : i32 to vector<16xi32>
        %and3A_187 = arith.andi %get3A_184, %and3A_186 : vector<16xi32>
        %swap3A_188 = arith.constant 32 : index
        %swap3A_189 = tpu.vector_load %arg9[%swap3A_188] {strides = array<i32>} : memref<96xi32, #tpu.memory_space<vmem>>, vector<16xi32>,
        %swap3A_190 = vector.shape_cast %swap3A_189 : vector<16xi32> to vector<16xi32>
        %swap3A_191 = vector.shape_cast %and3A_187 : vector<16xi32> to vector<16xi32>
        tpu.vector_store %arg9[%swap3A_188], %swap3A_191 {strides = array<i32>} : memref<96xi32, #tpu.memory_space<vmem>>, vector<16xi32>,
        %shift_right_logical3A_192 = arith.constant 14 : i32
        %shift_right_logical3A_193 = vector.broadcast %shift_right_logical3A_192 : i32 to vector<16xi32>
        %shift_right_logical3A_194 = arith.shrui %get3A_184, %shift_right_logical3A_193 : vector<16xi32>
        %swap3A_195 = arith.constant 32 : index
        %swap3A_196 = tpu.vector_load %arg11[%swap3A_195] {strides = array<i32>} : memref<96xi32, #tpu.memory_space<vmem>>, vector<16xi32>,
        %swap3A_197 = vector.shape_cast %swap3A_196 : vector<16xi32> to vector<16xi32>
        %swap3A_198 = vector.shape_cast %shift_right_logical3A_194 : vector<16xi32> to vector<16xi32>
        tpu.vector_store %arg11[%swap3A_195], %swap3A_198 {strides = array<i32>} : memref<96xi32, #tpu.memory_space<vmem>>, vector<16xi32>,
        %mul3A_199 = arith.constant 96 : i32
        %mul3A_200 = arith.muli %mul3A_135, %mul3A_199 : i32
        %add3A_201 = arith.constant 48 : i32
        %add3A_202 = arith.addi %mul3A_200, %add3A_201 : i32
        %get3A_203 = arith.index_cast %add3A_202 : i32 to index
        %get3A_204 = tpu.vector_load %arg8[%get3A_203] {strides = array<i32>} : memref<20064xi32, #tpu.memory_space<vmem>>, vector<16xi32>,
        %get3A_205 = vector.shape_cast %get3A_204 : vector<16xi32> to vector<16xi32>
        %and3A_206 = arith.constant 16383 : i32
        %and3A_207 = vector.broadcast %and3A_206 : i32 to vector<16xi32>
        %and3A_208 = arith.andi %get3A_205, %and3A_207 : vector<16xi32>
        %swap3A_209 = arith.constant 48 : index
        %swap3A_210 = tpu.vector_load %arg9[%swap3A_209] {strides = array<i32>} : memref<96xi32, #tpu.memory_space<vmem>>, vector<16xi32>,
        %swap3A_211 = vector.shape_cast %swap3A_210 : vector<16xi32> to vector<16xi32>
        %swap3A_212 = vector.shape_cast %and3A_208 : vector<16xi32> to vector<16xi32>
        tpu.vector_store %arg9[%swap3A_209], %swap3A_212 {strides = array<i32>} : memref<96xi32, #tpu.memory_space<vmem>>, vector<16xi32>,
        %shift_right_logical3A_213 = arith.constant 14 : i32
        %shift_right_logical3A_214 = vector.broadcast %shift_right_logical3A_213 : i32 to vector<16xi32>
        %shift_right_logical3A_215 = arith.shrui %get3A_205, %shift_right_logical3A_214 : vector<16xi32>
        %swap3A_216 = arith.constant 48 : index
        %swap3A_217 = tpu.vector_load %arg11[%swap3A_216] {strides = array<i32>} : memref<96xi32, #tpu.memory_space<vmem>>, vector<16xi32>,
        %swap3A_218 = vector.shape_cast %swap3A_217 : vector<16xi32> to vector<16xi32>
        %swap3A_219 = vector.shape_cast %shift_right_logical3A_215 : vector<16xi32> to vector<16xi32>
        tpu.vector_store %arg11[%swap3A_216], %swap3A_219 {strides = array<i32>} : memref<96xi32, #tpu.memory_space<vmem>>, vector<16xi32>,
        %mul3A_220 = arith.constant 96 : i32
        %mul3A_221 = arith.muli %mul3A_135, %mul3A_220 : i32
        %add3A_222 = arith.constant 64 : i32
        %add3A_223 = arith.addi %mul3A_221, %add3A_222 : i32
        %get3A_224 = arith.index_cast %add3A_223 : i32 to index
        %get3A_225 = tpu.vector_load %arg8[%get3A_224] {strides = array<i32>} : memref<20064xi32, #tpu.memory_space<vmem>>, vector<16xi32>,
        %get3A_226 = vector.shape_cast %get3A_225 : vector<16xi32> to vector<16xi32>
        %and3A_227 = arith.constant 16383 : i32
        %and3A_228 = vector.broadcast %and3A_227 : i32 to vector<16xi32>
        %and3A_229 = arith.andi %get3A_226, %and3A_228 : vector<16xi32>
        %swap3A_230 = arith.constant 64 : index
        %swap3A_231 = tpu.vector_load %arg9[%swap3A_230] {strides = array<i32>} : memref<96xi32, #tpu.memory_space<vmem>>, vector<16xi32>,
        %swap3A_232 = vector.shape_cast %swap3A_231 : vector<16xi32> to vector<16xi32>
        %swap3A_233 = vector.shape_cast %and3A_229 : vector<16xi32> to vector<16xi32>
        tpu.vector_store %arg9[%swap3A_230], %swap3A_233 {strides = array<i32>} : memref<96xi32, #tpu.memory_space<vmem>>, vector<16xi32>,
        %shift_right_logical3A_234 = arith.constant 14 : i32
        %shift_right_logical3A_235 = vector.broadcast %shift_right_logical3A_234 : i32 to vector<16xi32>
        %shift_right_logical3A_236 = arith.shrui %get3A_226, %shift_right_logical3A_235 : vector<16xi32>
        %swap3A_237 = arith.constant 64 : index
        %swap3A_238 = tpu.vector_load %arg11[%swap3A_237] {strides = array<i32>} : memref<96xi32, #tpu.memory_space<vmem>>, vector<16xi32>,
        %swap3A_239 = vector.shape_cast %swap3A_238 : vector<16xi32> to vector<16xi32>
        %swap3A_240 = vector.shape_cast %shift_right_logical3A_236 : vector<16xi32> to vector<16xi32>
        tpu.vector_store %arg11[%swap3A_237], %swap3A_240 {strides = array<i32>} : memref<96xi32, #tpu.memory_space<vmem>>, vector<16xi32>,
        %mul3A_241 = arith.constant 96 : i32
        %mul3A_242 = arith.muli %mul3A_135, %mul3A_241 : i32
        %add3A_243 = arith.constant 80 : i32
        %add3A_244 = arith.addi %mul3A_242, %add3A_243 : i32
        %get3A_245 = arith.index_cast %add3A_244 : i32 to index
        %get3A_246 = tpu.vector_load %arg8[%get3A_245] {strides = array<i32>} : memref<20064xi32, #tpu.memory_space<vmem>>, vector<16xi32>,
        %get3A_247 = vector.shape_cast %get3A_246 : vector<16xi32> to vector<16xi32>
        %and3A_248 = arith.constant 16383 : i32
        %and3A_249 = vector.broadcast %and3A_248 : i32 to vector<16xi32>
        %and3A_250 = arith.andi %get3A_247, %and3A_249 : vector<16xi32>
        %swap3A_251 = arith.constant 80 : index
        %swap3A_252 = tpu.vector_load %arg9[%swap3A_251] {strides = array<i32>} : memref<96xi32, #tpu.memory_space<vmem>>, vector<16xi32>,
        %swap3A_253 = vector.shape_cast %swap3A_252 : vector<16xi32> to vector<16xi32>
        %swap3A_254 = vector.shape_cast %and3A_250 : vector<16xi32> to vector<16xi32>
        tpu.vector_store %arg9[%swap3A_251], %swap3A_254 {strides = array<i32>} : memref<96xi32, #tpu.memory_space<vmem>>, vector<16xi32>,
        %shift_right_logical3A_255 = arith.constant 14 : i32
        %shift_right_logical3A_256 = vector.broadcast %shift_right_logical3A_255 : i32 to vector<16xi32>
        %shift_right_logical3A_257 = arith.shrui %get3A_247, %shift_right_logical3A_256 : vector<16xi32>
        %swap3A_258 = arith.constant 80 : index
        %swap3A_259 = tpu.vector_load %arg11[%swap3A_258] {strides = array<i32>} : memref<96xi32, #tpu.memory_space<vmem>>, vector<16xi32>,
        %swap3A_260 = vector.shape_cast %swap3A_259 : vector<16xi32> to vector<16xi32>
        %swap3A_261 = vector.shape_cast %shift_right_logical3A_257 : vector<16xi32> to vector<16xi32>
        tpu.vector_store %arg11[%swap3A_258], %swap3A_261 {strides = array<i32>} : memref<96xi32, #tpu.memory_space<vmem>>, vector<16xi32>,
        %add3A_262 = arith.constant 1 : i32
        %add3A_263 = arith.addi %mul3A_135, %add3A_262 : i32
        %mul3A_264 = arith.constant 96 : i32
        %mul3A_265 = arith.muli %add3A_263, %mul3A_264 : i32
        %add3A_266 = arith.constant 0 : i32
        %add3A_267 = arith.addi %mul3A_265, %add3A_266 : i32
        %get3A_268 = arith.index_cast %add3A_267 : i32 to index
        %get3A_269 = tpu.vector_load %arg8[%get3A_268] {strides = array<i32>} : memref<20064xi32, #tpu.memory_space<vmem>>, vector<16xi32>,
        %get3A_270 = vector.shape_cast %get3A_269 : vector<16xi32> to vector<16xi32>
        %and3A_271 = arith.constant 16383 : i32
        %and3A_272 = vector.broadcast %and3A_271 : i32 to vector<16xi32>
        %and3A_273 = arith.andi %get3A_270, %and3A_272 : vector<16xi32>
        %swap3A_274 = arith.constant 0 : index
        %swap3A_275 = tpu.vector_load %arg10[%swap3A_274] {strides = array<i32>} : memref<96xi32, #tpu.memory_space<vmem>>, vector<16xi32>,
        %swap3A_276 = vector.shape_cast %swap3A_275 : vector<16xi32> to vector<16xi32>
        %swap3A_277 = vector.shape_cast %and3A_273 : vector<16xi32> to vector<16xi32>
        tpu.vector_store %arg10[%swap3A_274], %swap3A_277 {strides = array<i32>} : memref<96xi32, #tpu.memory_space<vmem>>, vector<16xi32>,
        %shift_right_logical3A_278 = arith.constant 14 : i32
        %shift_right_logical3A_279 = vector.broadcast %shift_right_logical3A_278 : i32 to vector<16xi32>
        %shift_right_logical3A_280 = arith.shrui %get3A_270, %shift_right_logical3A_279 : vector<16xi32>
        %swap3A_281 = arith.constant 0 : index
        %swap3A_282 = tpu.vector_load %arg12[%swap3A_281] {strides = array<i32>} : memref<96xi32, #tpu.memory_space<vmem>>, vector<16xi32>,
        %swap3A_283 = vector.shape_cast %swap3A_282 : vector<16xi32> to vector<16xi32>
        %swap3A_284 = vector.shape_cast %shift_right_logical3A_280 : vector<16xi32> to vector<16xi32>
        tpu.vector_store %arg12[%swap3A_281], %swap3A_284 {strides = array<i32>} : memref<96xi32, #tpu.memory_space<vmem>>, vector<16xi32>,
        %mul3A_285 = arith.constant 96 : i32
        %mul3A_286 = arith.muli %add3A_263, %mul3A_285 : i32
        %add3A_287 = arith.constant 16 : i32
        %add3A_288 = arith.addi %mul3A_286, %add3A_287 : i32
        %get3A_289 = arith.index_cast %add3A_288 : i32 to index
        %get3A_290 = tpu.vector_load %arg8[%get3A_289] {strides = array<i32>} : memref<20064xi32, #tpu.memory_space<vmem>>, vector<16xi32>,
        %get3A_291 = vector.shape_cast %get3A_290 : vector<16xi32> to vector<16xi32>
        %and3A_292 = arith.constant 16383 : i32
        %and3A_293 = vector.broadcast %and3A_292 : i32 to vector<16xi32>
        %and3A_294 = arith.andi %get3A_291, %and3A_293 : vector<16xi32>
        %swap3A_295 = arith.constant 16 : index
        %swap3A_296 = tpu.vector_load %arg10[%swap3A_295] {strides = array<i32>} : memref<96xi32, #tpu.memory_space<vmem>>, vector<16xi32>,
        %swap3A_297 = vector.shape_cast %swap3A_296 : vector<16xi32> to vector<16xi32>
        %swap3A_298 = vector.shape_cast %and3A_294 : vector<16xi32> to vector<16xi32>
        tpu.vector_store %arg10[%swap3A_295], %swap3A_298 {strides = array<i32>} : memref<96xi32, #tpu.memory_space<vmem>>, vector<16xi32>,
        %shift_right_logical3A_299 = arith.constant 14 : i32
        %shift_right_logical3A_300 = vector.broadcast %shift_right_logical3A_299 : i32 to vector<16xi32>
        %shift_right_logical3A_301 = arith.shrui %get3A_291, %shift_right_logical3A_300 : vector<16xi32>
        %swap3A_302 = arith.constant 16 : index
        %swap3A_303 = tpu.vector_load %arg12[%swap3A_302] {strides = array<i32>} : memref<96xi32, #tpu.memory_space<vmem>>, vector<16xi32>,
        %swap3A_304 = vector.shape_cast %swap3A_303 : vector<16xi32> to vector<16xi32>
        %swap3A_305 = vector.shape_cast %shift_right_logical3A_301 : vector<16xi32> to vector<16xi32>
        tpu.vector_store %arg12[%swap3A_302], %swap3A_305 {strides = array<i32>} : memref<96xi32, #tpu.memory_space<vmem>>, vector<16xi32>,
        %mul3A_306 = arith.constant 96 : i32
        %mul3A_307 = arith.muli %add3A_263, %mul3A_306 : i32
        %add3A_308 = arith.constant 32 : i32
        %add3A_309 = arith.addi %mul3A_307, %add3A_308 : i32
        %get3A_310 = arith.index_cast %add3A_309 : i32 to index
        %get3A_311 = tpu.vector_load %arg8[%get3A_310] {strides = array<i32>} : memref<20064xi32, #tpu.memory_space<vmem>>, vector<16xi32>,
        %get3A_312 = vector.shape_cast %get3A_311 : vector<16xi32> to vector<16xi32>
        %and3A_313 = arith.constant 16383 : i32
        %and3A_314 = vector.broadcast %and3A_313 : i32 to vector<16xi32>
        %and3A_315 = arith.andi %get3A_312, %and3A_314 : vector<16xi32>
        %swap3A_316 = arith.constant 32 : index
        %swap3A_317 = tpu.vector_load %arg10[%swap3A_316] {strides = array<i32>} : memref<96xi32, #tpu.memory_space<vmem>>, vector<16xi32>,
        %swap3A_318 = vector.shape_cast %swap3A_317 : vector<16xi32> to vector<16xi32>
        %swap3A_319 = vector.shape_cast %and3A_315 : vector<16xi32> to vector<16xi32>
        tpu.vector_store %arg10[%swap3A_316], %swap3A_319 {strides = array<i32>} : memref<96xi32, #tpu.memory_space<vmem>>, vector<16xi32>,
        %shift_right_logical3A_320 = arith.constant 14 : i32
        %shift_right_logical3A_321 = vector.broadcast %shift_right_logical3A_320 : i32 to vector<16xi32>
        %shift_right_logical3A_322 = arith.shrui %get3A_312, %shift_right_logical3A_321 : vector<16xi32>
        %swap3A_323 = arith.constant 32 : index
        %swap3A_324 = tpu.vector_load %arg12[%swap3A_323] {strides = array<i32>} : memref<96xi32, #tpu.memory_space<vmem>>, vector<16xi32>,
        %swap3A_325 = vector.shape_cast %swap3A_324 : vector<16xi32> to vector<16xi32>
        %swap3A_326 = vector.shape_cast %shift_right_logical3A_322 : vector<16xi32> to vector<16xi32>
        tpu.vector_store %arg12[%swap3A_323], %swap3A_326 {strides = array<i32>} : memref<96xi32, #tpu.memory_space<vmem>>, vector<16xi32>,
        %mul3A_327 = arith.constant 96 : i32
        %mul3A_328 = arith.muli %add3A_263, %mul3A_327 : i32
        %add3A_329 = arith.constant 48 : i32
        %add3A_330 = arith.addi %mul3A_328, %add3A_329 : i32
        %get3A_331 = arith.index_cast %add3A_330 : i32 to index
        %get3A_332 = tpu.vector_load %arg8[%get3A_331] {strides = array<i32>} : memref<20064xi32, #tpu.memory_space<vmem>>, vector<16xi32>,
        %get3A_333 = vector.shape_cast %get3A_332 : vector<16xi32> to vector<16xi32>
        %and3A_334 = arith.constant 16383 : i32
        %and3A_335 = vector.broadcast %and3A_334 : i32 to vector<16xi32>
        %and3A_336 = arith.andi %get3A_333, %and3A_335 : vector<16xi32>
        %swap3A_337 = arith.constant 48 : index
        %swap3A_338 = tpu.vector_load %arg10[%swap3A_337] {strides = array<i32>} : memref<96xi32, #tpu.memory_space<vmem>>, vector<16xi32>,
        %swap3A_339 = vector.shape_cast %swap3A_338 : vector<16xi32> to vector<16xi32>
        %swap3A_340 = vector.shape_cast %and3A_336 : vector<16xi32> to vector<16xi32>
        tpu.vector_store %arg10[%swap3A_337], %swap3A_340 {strides = array<i32>} : memref<96xi32, #tpu.memory_space<vmem>>, vector<16xi32>,
        %shift_right_logical3A_341 = arith.constant 14 : i32
        %shift_right_logical3A_342 = vector.broadcast %shift_right_logical3A_341 : i32 to vector<16xi32>
        %shift_right_logical3A_343 = arith.shrui %get3A_333, %shift_right_logical3A_342 : vector<16xi32>
        %swap3A_344 = arith.constant 48 : index
        %swap3A_345 = tpu.vector_load %arg12[%swap3A_344] {strides = array<i32>} : memref<96xi32, #tpu.memory_space<vmem>>, vector<16xi32>,
        %swap3A_346 = vector.shape_cast %swap3A_345 : vector<16xi32> to vector<16xi32>
        %swap3A_347 = vector.shape_cast %shift_right_logical3A_343 : vector<16xi32> to vector<16xi32>
        tpu.vector_store %arg12[%swap3A_344], %swap3A_347 {strides = array<i32>} : memref<96xi32, #tpu.memory_space<vmem>>, vector<16xi32>,
        %mul3A_348 = arith.constant 96 : i32
        %mul3A_349 = arith.muli %add3A_263, %mul3A_348 : i32
        %add3A_350 = arith.constant 64 : i32
        %add3A_351 = arith.addi %mul3A_349, %add3A_350 : i32
        %get3A_352 = arith.index_cast %add3A_351 : i32 to index
        %get3A_353 = tpu.vector_load %arg8[%get3A_352] {strides = array<i32>} : memref<20064xi32, #tpu.memory_space<vmem>>, vector<16xi32>,
        %get3A_354 = vector.shape_cast %get3A_353 : vector<16xi32> to vector<16xi32>
        %and3A_355 = arith.constant 16383 : i32
        %and3A_356 = vector.broadcast %and3A_355 : i32 to vector<16xi32>
        %and3A_357 = arith.andi %get3A_354, %and3A_356 : vector<16xi32>
        %swap3A_358 = arith.constant 64 : index
        %swap3A_359 = tpu.vector_load %arg10[%swap3A_358] {strides = array<i32>} : memref<96xi32, #tpu.memory_space<vmem>>, vector<16xi32>,
        %swap3A_360 = vector.shape_cast %swap3A_359 : vector<16xi32> to vector<16xi32>
        %swap3A_361 = vector.shape_cast %and3A_357 : vector<16xi32> to vector<16xi32>
        tpu.vector_store %arg10[%swap3A_358], %swap3A_361 {strides = array<i32>} : memref<96xi32, #tpu.memory_space<vmem>>, vector<16xi32>,
        %shift_right_logical3A_362 = arith.constant 14 : i32
        %shift_right_logical3A_363 = vector.broadcast %shift_right_logical3A_362 : i32 to vector<16xi32>
        %shift_right_logical3A_364 = arith.shrui %get3A_354, %shift_right_logical3A_363 : vector<16xi32>
        %swap3A_365 = arith.constant 64 : index
        %swap3A_366 = tpu.vector_load %arg12[%swap3A_365] {strides = array<i32>} : memref<96xi32, #tpu.memory_space<vmem>>, vector<16xi32>,
        %swap3A_367 = vector.shape_cast %swap3A_366 : vector<16xi32> to vector<16xi32>
        %swap3A_368 = vector.shape_cast %shift_right_logical3A_364 : vector<16xi32> to vector<16xi32>
        tpu.vector_store %arg12[%swap3A_365], %swap3A_368 {strides = array<i32>} : memref<96xi32, #tpu.memory_space<vmem>>, vector<16xi32>,
        %mul3A_369 = arith.constant 96 : i32
        %mul3A_370 = arith.muli %add3A_263, %mul3A_369 : i32
        %add3A_371 = arith.constant 80 : i32
        %add3A_372 = arith.addi %mul3A_370, %add3A_371 : i32
        %get3A_373 = arith.index_cast %add3A_372 : i32 to index
        %get3A_374 = tpu.vector_load %arg8[%get3A_373] {strides = array<i32>} : memref<20064xi32, #tpu.memory_space<vmem>>, vector<16xi32>,
        %get3A_375 = vector.shape_cast %get3A_374 : vector<16xi32> to vector<16xi32>
        %and3A_376 = arith.constant 16383 : i32
        %and3A_377 = vector.broadcast %and3A_376 : i32 to vector<16xi32>
        %and3A_378 = arith.andi %get3A_375, %and3A_377 : vector<16xi32>
        %swap3A_379 = arith.constant 80 : index
        %swap3A_380 = tpu.vector_load %arg10[%swap3A_379] {strides = array<i32>} : memref<96xi32, #tpu.memory_space<vmem>>, vector<16xi32>,
        %swap3A_381 = vector.shape_cast %swap3A_380 : vector<16xi32> to vector<16xi32>
        %swap3A_382 = vector.shape_cast %and3A_378 : vector<16xi32> to vector<16xi32>
        tpu.vector_store %arg10[%swap3A_379], %swap3A_382 {strides = array<i32>} : memref<96xi32, #tpu.memory_space<vmem>>, vector<16xi32>,
        %shift_right_logical3A_383 = arith.constant 14 : i32
        %shift_right_logical3A_384 = vector.broadcast %shift_right_logical3A_383 : i32 to vector<16xi32>
        %shift_right_logical3A_385 = arith.shrui %get3A_375, %shift_right_logical3A_384 : vector<16xi32>
        %swap3A_386 = arith.constant 80 : index
        %swap3A_387 = tpu.vector_load %arg12[%swap3A_386] {strides = array<i32>} : memref<96xi32, #tpu.memory_space<vmem>>, vector<16xi32>,
        %swap3A_388 = vector.shape_cast %swap3A_387 : vector<16xi32> to vector<16xi32>
        %swap3A_389 = vector.shape_cast %shift_right_logical3A_385 : vector<16xi32> to vector<16xi32>
        tpu.vector_store %arg12[%swap3A_386], %swap3A_389 {strides = array<i32>} : memref<96xi32, #tpu.memory_space<vmem>>, vector<16xi32>,
        %dma_start3A = arith.constant 0 : i32
        %dma_start3A_390 = arith.constant 0 : i32
        %dma_start3A_391 = tpu.memref_slice %arg3[%dma_start3A, %dma_start3A_390] : memref<10000x128xf32, #tpu.memory_space<hbm>> -> memref<10000x128xf32, #tpu.memory_space<hbm>>
        tpu.enqueue_indirect_dma source(%dma_start3A_391 : memref<10000x128xf32, #tpu.memory_space<hbm>>) target(%arg13 : memref<96x128xf32, #tpu.memory_space<vmem>>) offsets(%arg9 : memref<96xi32, #tpu.memory_space<vmem>>) semaphore(%arg16 : memref<!tpu.dma_semaphore, #tpu.memory_space<semaphore_mem>>)
        %dma_start3A_392 = arith.constant 0 : i32
        %dma_start3A_393 = arith.constant 0 : i32
        %dma_start3A_394 = tpu.memref_slice %arg3[%dma_start3A_392, %dma_start3A_393] : memref<10000x128xf32, #tpu.memory_space<hbm>> -> memref<10000x128xf32, #tpu.memory_space<hbm>>
        tpu.enqueue_indirect_dma source(%dma_start3A_394 : memref<10000x128xf32, #tpu.memory_space<hbm>>) target(%arg14 : memref<96x128xf32, #tpu.memory_space<vmem>>) offsets(%arg10 : memref<96xi32, #tpu.memory_space<vmem>>) semaphore(%arg17 : memref<!tpu.dma_semaphore, #tpu.memory_space<semaphore_mem>>)
        %dma_wait3A_395 = arith.constant 0 : i32
        %dma_wait3A_396 = arith.constant 0 : i32
        %dma_wait3A_397 = tpu.memref_slice %arg3[%dma_wait3A_395, %dma_wait3A_396] : memref<10000x128xf32, #tpu.memory_space<hbm>> -> memref<10000x128xf32, #tpu.memory_space<hbm>>
        tpu.wait_indirect_dma semaphore(%arg16 : memref<!tpu.dma_semaphore, #tpu.memory_space<semaphore_mem>>) src(%dma_wait3A_397 : memref<10000x128xf32, #tpu.memory_space<hbm>>) dst(%arg13 : memref<96x128xf32, #tpu.memory_space<vmem>>)
        %dma_start3A_398 = arith.constant 0 : i32
        %dma_start3A_399 = arith.constant 0 : i32
        %dma_start3A_400 = tpu.memref_slice %arg15[%dma_start3A_398, %dma_start3A_399] : memref<10112x128xf32, #tpu.memory_space<vmem_shared>> -> memref<10112x128xf32, #tpu.memory_space<vmem_shared>>
        tpu.enqueue_indirect_dma source(%arg13 : memref<96x128xf32, #tpu.memory_space<vmem>>) target(%dma_start3A_400 : memref<10112x128xf32, #tpu.memory_space<vmem_shared>>) offsets(%arg11 : memref<96xi32, #tpu.memory_space<vmem>>) semaphore(%arg18 : memref<!tpu.dma_semaphore, #tpu.memory_space<semaphore_mem>>) {add = true}
        %dma_wait3A_401 = arith.constant 0 : i32
        %dma_wait3A_402 = arith.constant 0 : i32
        %dma_wait3A_403 = tpu.memref_slice %arg3[%dma_wait3A_401, %dma_wait3A_402] : memref<10000x128xf32, #tpu.memory_space<hbm>> -> memref<10000x128xf32, #tpu.memory_space<hbm>>
        tpu.wait_indirect_dma semaphore(%arg17 : memref<!tpu.dma_semaphore, #tpu.memory_space<semaphore_mem>>) src(%dma_wait3A_403 : memref<10000x128xf32, #tpu.memory_space<hbm>>) dst(%arg14 : memref<96x128xf32, #tpu.memory_space<vmem>>)
        %dma_start3A_404 = arith.constant 0 : i32
        %dma_start3A_405 = arith.constant 0 : i32
        %dma_start3A_406 = tpu.memref_slice %arg15[%dma_start3A_404, %dma_start3A_405] : memref<10112x128xf32, #tpu.memory_space<vmem_shared>> -> memref<10112x128xf32, #tpu.memory_space<vmem_shared>>
        tpu.enqueue_indirect_dma source(%arg14 : memref<96x128xf32, #tpu.memory_space<vmem>>) target(%dma_start3A_406 : memref<10112x128xf32, #tpu.memory_space<vmem_shared>>) offsets(%arg12 : memref<96xi32, #tpu.memory_space<vmem>>) semaphore(%arg19 : memref<!tpu.dma_semaphore, #tpu.memory_space<semaphore_mem>>) {add = true}
      }
      %scan3A_22 = arith.constant 104 : i32
      %dma_wait3A = arith.constant 0 : i32
      %dma_wait3A_23 = arith.constant 0 : i32
      %dma_wait3A_24 = tpu.memref_slice %arg15[%dma_wait3A, %dma_wait3A_23] : memref<10112x128xf32, #tpu.memory_space<vmem_shared>> -> memref<10112x128xf32, #tpu.memory_space<vmem_shared>>
      tpu.wait_indirect_dma semaphore(%arg18 : memref<!tpu.dma_semaphore, #tpu.memory_space<semaphore_mem>>) src(%arg13 : memref<96x128xf32, #tpu.memory_space<vmem>>) dst(%dma_wait3A_24 : memref<10112x128xf32, #tpu.memory_space<vmem_shared>>)
      %dma_wait3A_25 = arith.constant 0 : i32
      %dma_wait3A_26 = arith.constant 0 : i32
      %dma_wait3A_27 = tpu.memref_slice %arg15[%dma_wait3A_25, %dma_wait3A_26] : memref<10112x128xf32, #tpu.memory_space<vmem_shared>> -> memref<10112x128xf32, #tpu.memory_space<vmem_shared>>
      tpu.wait_indirect_dma semaphore(%arg19 : memref<!tpu.dma_semaphore, #tpu.memory_space<semaphore_mem>>) src(%arg14 : memref<96x128xf32, #tpu.memory_space<vmem>>) dst(%dma_wait3A_27 : memref<10112x128xf32, #tpu.memory_space<vmem_shared>>)
      %get3A = arith.constant 19968 : index
      %get3A_28 = tpu.vector_load %arg8[%get3A] {strides = array<i32>} : memref<20064xi32, #tpu.memory_space<vmem>>, vector<16xi32>,
      %get3A_29 = vector.shape_cast %get3A_28 : vector<16xi32> to vector<16xi32>
      %and3A = arith.constant 16383 : i32
      %and3A_30 = vector.broadcast %and3A : i32 to vector<16xi32>
      %and3A_31 = arith.andi %get3A_29, %and3A_30 : vector<16xi32>
      %swap3A = arith.constant 0 : index
      %swap3A_32 = tpu.vector_load %arg9[%swap3A] {strides = array<i32>} : memref<96xi32, #tpu.memory_space<vmem>>, vector<16xi32>,
      %swap3A_33 = vector.shape_cast %swap3A_32 : vector<16xi32> to vector<16xi32>
      %swap3A_34 = vector.shape_cast %and3A_31 : vector<16xi32> to vector<16xi32>
      tpu.vector_store %arg9[%swap3A], %swap3A_34 {strides = array<i32>} : memref<96xi32, #tpu.memory_space<vmem>>, vector<16xi32>,
      %shift_right_logical3A = arith.constant 14 : i32
      %shift_right_logical3A_35 = vector.broadcast %shift_right_logical3A : i32 to vector<16xi32>
      %shift_right_logical3A_36 = arith.shrui %get3A_29, %shift_right_logical3A_35 : vector<16xi32>
      %swap3A_37 = arith.constant 0 : index
      %swap3A_38 = tpu.vector_load %arg11[%swap3A_37] {strides = array<i32>} : memref<96xi32, #tpu.memory_space<vmem>>, vector<16xi32>,
      %swap3A_39 = vector.shape_cast %swap3A_38 : vector<16xi32> to vector<16xi32>
      %swap3A_40 = vector.shape_cast %shift_right_logical3A_36 : vector<16xi32> to vector<16xi32>
      tpu.vector_store %arg11[%swap3A_37], %swap3A_40 {strides = array<i32>} : memref<96xi32, #tpu.memory_space<vmem>>, vector<16xi32>,
      %get3A_41 = arith.constant 19984 : index
      %get3A_42 = tpu.vector_load %arg8[%get3A_41] {strides = array<i32>} : memref<20064xi32, #tpu.memory_space<vmem>>, vector<16xi32>,
      %get3A_43 = vector.shape_cast %get3A_42 : vector<16xi32> to vector<16xi32>
      %and3A_44 = arith.constant 16383 : i32
      %and3A_45 = vector.broadcast %and3A_44 : i32 to vector<16xi32>
      %and3A_46 = arith.andi %get3A_43, %and3A_45 : vector<16xi32>
      %swap3A_47 = arith.constant 16 : index
      %swap3A_48 = tpu.vector_load %arg9[%swap3A_47] {strides = array<i32>} : memref<96xi32, #tpu.memory_space<vmem>>, vector<16xi32>,
      %swap3A_49 = vector.shape_cast %swap3A_48 : vector<16xi32> to vector<16xi32>
      %swap3A_50 = vector.shape_cast %and3A_46 : vector<16xi32> to vector<16xi32>
      tpu.vector_store %arg9[%swap3A_47], %swap3A_50 {strides = array<i32>} : memref<96xi32, #tpu.memory_space<vmem>>, vector<16xi32>,
      %shift_right_logical3A_51 = arith.constant 14 : i32
      %shift_right_logical3A_52 = vector.broadcast %shift_right_logical3A_51 : i32 to vector<16xi32>
      %shift_right_logical3A_53 = arith.shrui %get3A_43, %shift_right_logical3A_52 : vector<16xi32>
      %swap3A_54 = arith.constant 16 : index
      %swap3A_55 = tpu.vector_load %arg11[%swap3A_54] {strides = array<i32>} : memref<96xi32, #tpu.memory_space<vmem>>, vector<16xi32>,
      %swap3A_56 = vector.shape_cast %swap3A_55 : vector<16xi32> to vector<16xi32>
      %swap3A_57 = vector.shape_cast %shift_right_logical3A_53 : vector<16xi32> to vector<16xi32>
      tpu.vector_store %arg11[%swap3A_54], %swap3A_57 {strides = array<i32>} : memref<96xi32, #tpu.memory_space<vmem>>, vector<16xi32>,
      %get3A_58 = arith.constant 20000 : index
      %get3A_59 = tpu.vector_load %arg8[%get3A_58] {strides = array<i32>} : memref<20064xi32, #tpu.memory_space<vmem>>, vector<16xi32>,
      %get3A_60 = vector.shape_cast %get3A_59 : vector<16xi32> to vector<16xi32>
      %and3A_61 = arith.constant 16383 : i32
      %and3A_62 = vector.broadcast %and3A_61 : i32 to vector<16xi32>
      %and3A_63 = arith.andi %get3A_60, %and3A_62 : vector<16xi32>
      %swap3A_64 = arith.constant 32 : index
      %swap3A_65 = tpu.vector_load %arg9[%swap3A_64] {strides = array<i32>} : memref<96xi32, #tpu.memory_space<vmem>>, vector<16xi32>,
      %swap3A_66 = vector.shape_cast %swap3A_65 : vector<16xi32> to vector<16xi32>
      %swap3A_67 = vector.shape_cast %and3A_63 : vector<16xi32> to vector<16xi32>
      tpu.vector_store %arg9[%swap3A_64], %swap3A_67 {strides = array<i32>} : memref<96xi32, #tpu.memory_space<vmem>>, vector<16xi32>,
      %shift_right_logical3A_68 = arith.constant 14 : i32
      %shift_right_logical3A_69 = vector.broadcast %shift_right_logical3A_68 : i32 to vector<16xi32>
      %shift_right_logical3A_70 = arith.shrui %get3A_60, %shift_right_logical3A_69 : vector<16xi32>
      %swap3A_71 = arith.constant 32 : index
      %swap3A_72 = tpu.vector_load %arg11[%swap3A_71] {strides = array<i32>} : memref<96xi32, #tpu.memory_space<vmem>>, vector<16xi32>,
      %swap3A_73 = vector.shape_cast %swap3A_72 : vector<16xi32> to vector<16xi32>
      %swap3A_74 = vector.shape_cast %shift_right_logical3A_70 : vector<16xi32> to vector<16xi32>
      tpu.vector_store %arg11[%swap3A_71], %swap3A_74 {strides = array<i32>} : memref<96xi32, #tpu.memory_space<vmem>>, vector<16xi32>,
      %get3A_75 = arith.constant 20016 : index
      %get3A_76 = tpu.vector_load %arg8[%get3A_75] {strides = array<i32>} : memref<20064xi32, #tpu.memory_space<vmem>>, vector<16xi32>,
      %get3A_77 = vector.shape_cast %get3A_76 : vector<16xi32> to vector<16xi32>
      %and3A_78 = arith.constant 16383 : i32
      %and3A_79 = vector.broadcast %and3A_78 : i32 to vector<16xi32>
      %and3A_80 = arith.andi %get3A_77, %and3A_79 : vector<16xi32>
      %swap3A_81 = arith.constant 48 : index
      %swap3A_82 = tpu.vector_load %arg9[%swap3A_81] {strides = array<i32>} : memref<96xi32, #tpu.memory_space<vmem>>, vector<16xi32>,
      %swap3A_83 = vector.shape_cast %swap3A_82 : vector<16xi32> to vector<16xi32>
      %swap3A_84 = vector.shape_cast %and3A_80 : vector<16xi32> to vector<16xi32>
      tpu.vector_store %arg9[%swap3A_81], %swap3A_84 {strides = array<i32>} : memref<96xi32, #tpu.memory_space<vmem>>, vector<16xi32>,
      %shift_right_logical3A_85 = arith.constant 14 : i32
      %shift_right_logical3A_86 = vector.broadcast %shift_right_logical3A_85 : i32 to vector<16xi32>
      %shift_right_logical3A_87 = arith.shrui %get3A_77, %shift_right_logical3A_86 : vector<16xi32>
      %swap3A_88 = arith.constant 48 : index
      %swap3A_89 = tpu.vector_load %arg11[%swap3A_88] {strides = array<i32>} : memref<96xi32, #tpu.memory_space<vmem>>, vector<16xi32>,
      %swap3A_90 = vector.shape_cast %swap3A_89 : vector<16xi32> to vector<16xi32>
      %swap3A_91 = vector.shape_cast %shift_right_logical3A_87 : vector<16xi32> to vector<16xi32>
      tpu.vector_store %arg11[%swap3A_88], %swap3A_91 {strides = array<i32>} : memref<96xi32, #tpu.memory_space<vmem>>, vector<16xi32>,
      %get3A_92 = arith.constant 20032 : index
      %get3A_93 = tpu.vector_load %arg8[%get3A_92] {strides = array<i32>} : memref<20064xi32, #tpu.memory_space<vmem>>, vector<16xi32>,
      %get3A_94 = vector.shape_cast %get3A_93 : vector<16xi32> to vector<16xi32>
      %and3A_95 = arith.constant 16383 : i32
      %and3A_96 = vector.broadcast %and3A_95 : i32 to vector<16xi32>
      %and3A_97 = arith.andi %get3A_94, %and3A_96 : vector<16xi32>
      %swap3A_98 = arith.constant 64 : index
      %swap3A_99 = tpu.vector_load %arg9[%swap3A_98] {strides = array<i32>} : memref<96xi32, #tpu.memory_space<vmem>>, vector<16xi32>,
      %swap3A_100 = vector.shape_cast %swap3A_99 : vector<16xi32> to vector<16xi32>
      %swap3A_101 = vector.shape_cast %and3A_97 : vector<16xi32> to vector<16xi32>
      tpu.vector_store %arg9[%swap3A_98], %swap3A_101 {strides = array<i32>} : memref<96xi32, #tpu.memory_space<vmem>>, vector<16xi32>,
      %shift_right_logical3A_102 = arith.constant 14 : i32
      %shift_right_logical3A_103 = vector.broadcast %shift_right_logical3A_102 : i32 to vector<16xi32>
      %shift_right_logical3A_104 = arith.shrui %get3A_94, %shift_right_logical3A_103 : vector<16xi32>
      %swap3A_105 = arith.constant 64 : index
      %swap3A_106 = tpu.vector_load %arg11[%swap3A_105] {strides = array<i32>} : memref<96xi32, #tpu.memory_space<vmem>>, vector<16xi32>,
      %swap3A_107 = vector.shape_cast %swap3A_106 : vector<16xi32> to vector<16xi32>
      %swap3A_108 = vector.shape_cast %shift_right_logical3A_104 : vector<16xi32> to vector<16xi32>
      tpu.vector_store %arg11[%swap3A_105], %swap3A_108 {strides = array<i32>} : memref<96xi32, #tpu.memory_space<vmem>>, vector<16xi32>,
      %get3A_109 = arith.constant 20048 : index
      %get3A_110 = tpu.vector_load %arg8[%get3A_109] {strides = array<i32>} : memref<20064xi32, #tpu.memory_space<vmem>>, vector<16xi32>,
      %get3A_111 = vector.shape_cast %get3A_110 : vector<16xi32> to vector<16xi32>
      %and3A_112 = arith.constant 16383 : i32
      %and3A_113 = vector.broadcast %and3A_112 : i32 to vector<16xi32>
      %and3A_114 = arith.andi %get3A_111, %and3A_113 : vector<16xi32>
      %swap3A_115 = arith.constant 80 : index
      %swap3A_116 = tpu.vector_load %arg9[%swap3A_115] {strides = array<i32>} : memref<96xi32, #tpu.memory_space<vmem>>, vector<16xi32>,
      %swap3A_117 = vector.shape_cast %swap3A_116 : vector<16xi32> to vector<16xi32>
      %swap3A_118 = vector.shape_cast %and3A_114 : vector<16xi32> to vector<16xi32>
      tpu.vector_store %arg9[%swap3A_115], %swap3A_118 {strides = array<i32>} : memref<96xi32, #tpu.memory_space<vmem>>, vector<16xi32>,
      %shift_right_logical3A_119 = arith.constant 14 : i32
      %shift_right_logical3A_120 = vector.broadcast %shift_right_logical3A_119 : i32 to vector<16xi32>
      %shift_right_logical3A_121 = arith.shrui %get3A_111, %shift_right_logical3A_120 : vector<16xi32>
      %swap3A_122 = arith.constant 80 : index
      %swap3A_123 = tpu.vector_load %arg11[%swap3A_122] {strides = array<i32>} : memref<96xi32, #tpu.memory_space<vmem>>, vector<16xi32>,
      %swap3A_124 = vector.shape_cast %swap3A_123 : vector<16xi32> to vector<16xi32>
      %swap3A_125 = vector.shape_cast %shift_right_logical3A_121 : vector<16xi32> to vector<16xi32>
      tpu.vector_store %arg11[%swap3A_122], %swap3A_125 {strides = array<i32>} : memref<96xi32, #tpu.memory_space<vmem>>, vector<16xi32>,
      "tpu.region"() ({
        %run_scoped3A = tpu.sem_alloc : memref<!tpu.dma_semaphore, #tpu.memory_space<semaphore_mem>>
        %dma_start3A = arith.constant 0 : i32
        %dma_start3A_126 = arith.constant 0 : i32
        %dma_start3A_127 = tpu.memref_slice %arg3[%dma_start3A, %dma_start3A_126] : memref<10000x128xf32, #tpu.memory_space<hbm>> -> memref<10000x128xf32, #tpu.memory_space<hbm>>
        tpu.enqueue_indirect_dma source(%dma_start3A_127 : memref<10000x128xf32, #tpu.memory_space<hbm>>) target(%arg13 : memref<96x128xf32, #tpu.memory_space<vmem>>) offsets(%arg9 : memref<96xi32, #tpu.memory_space<vmem>>) semaphore(%run_scoped3A : memref<!tpu.dma_semaphore, #tpu.memory_space<semaphore_mem>>)
        %dma_wait3A_128 = arith.constant 0 : i32
        %dma_wait3A_129 = arith.constant 0 : i32
        %dma_wait3A_130 = tpu.memref_slice %arg3[%dma_wait3A_128, %dma_wait3A_129] : memref<10000x128xf32, #tpu.memory_space<hbm>> -> memref<10000x128xf32, #tpu.memory_space<hbm>>
        tpu.wait_indirect_dma semaphore(%run_scoped3A : memref<!tpu.dma_semaphore, #tpu.memory_space<semaphore_mem>>) src(%dma_wait3A_130 : memref<10000x128xf32, #tpu.memory_space<hbm>>) dst(%arg13 : memref<96x128xf32, #tpu.memory_space<vmem>>)
        tpu.yield
      }) : () -> ()
      "tpu.region"() ({
        %run_scoped3A = tpu.sem_alloc : memref<!tpu.dma_semaphore, #tpu.memory_space<semaphore_mem>>
        %dma_start3A = arith.constant 0 : i32
        %dma_start3A_126 = arith.constant 0 : i32
        %dma_start3A_127 = tpu.memref_slice %arg15[%dma_start3A, %dma_start3A_126] : memref<10112x128xf32, #tpu.memory_space<vmem_shared>> -> memref<10112x128xf32, #tpu.memory_space<vmem_shared>>
        tpu.enqueue_indirect_dma source(%arg13 : memref<96x128xf32, #tpu.memory_space<vmem>>) target(%dma_start3A_127 : memref<10112x128xf32, #tpu.memory_space<vmem_shared>>) offsets(%arg11 : memref<96xi32, #tpu.memory_space<vmem>>) semaphore(%run_scoped3A : memref<!tpu.dma_semaphore, #tpu.memory_space<semaphore_mem>>) {add = true}
        %dma_wait3A_128 = arith.constant 0 : i32
        %dma_wait3A_129 = arith.constant 0 : i32
        %dma_wait3A_130 = tpu.memref_slice %arg15[%dma_wait3A_128, %dma_wait3A_129] : memref<10112x128xf32, #tpu.memory_space<vmem_shared>> -> memref<10112x128xf32, #tpu.memory_space<vmem_shared>>
        tpu.wait_indirect_dma semaphore(%run_scoped3A : memref<!tpu.dma_semaphore, #tpu.memory_space<semaphore_mem>>) src(%arg13 : memref<96x128xf32, #tpu.memory_space<vmem>>) dst(%dma_wait3A_130 : memref<10112x128xf32, #tpu.memory_space<vmem_shared>>)
        tpu.yield
      }) : () -> ()
    } else {
    }
    %barrier3A_8 = arith.constant 0 : index
    tpu.barrier barrier_id(%barrier3A_8)
    %eq3A_9 = arith.constant 0 : i32
    %eq3A_10 = arith.cmpi eq, %arg0, %eq3A_9 : i32
    %convert_element_type3A_11 = arith.extui %eq3A_10 : i1 to i32
    %cond3A_12 = arith.constant 0 : i32
    %cond3A_13 = arith.cmpi ne, %convert_element_type3A_11, %cond3A_12 : i32
    scf.if %cond3A_13 {
      %lt3A = arith.constant 15 : i32
      %lt3A_19 = arith.cmpi slt, %arg1, %lt3A : i32
      %convert_element_type3A_20 = arith.extui %lt3A_19 : i1 to i32
      %cond3A_21 = arith.constant 0 : i32
      %cond3A_22 = arith.cmpi ne, %convert_element_type3A_20, %cond3A_21 : i32
      scf.if %cond3A_22 {
        %mul3A_28 = arith.constant 624 : i32
        %mul3A_29 = arith.muli %arg1, %mul3A_28 : i32
        "tpu.region"() ({
          %run_scoped3A = tpu.sem_alloc : memref<!tpu.dma_semaphore, #tpu.memory_space<semaphore_mem>>
          %dma_start3A = arith.constant 0 : i32
          %dma_start3A_30 = tpu.memref_slice %arg6[%mul3A_29, %dma_start3A] : memref<10000x128xf32, #tpu.memory_space<hbm>> -> memref<624x128xf32, #tpu.memory_space<hbm>>
          %dma_start3A_31 = arith.constant 0 : i32
          %dma_start3A_32 = tpu.memref_slice %arg15[%mul3A_29, %dma_start3A_31] : memref<10112x128xf32, #tpu.memory_space<vmem_shared>> -> memref<624x128xf32, #tpu.memory_space<vmem_shared>>
          tpu.enqueue_dma source(%dma_start3A_32 : memref<624x128xf32, #tpu.memory_space<vmem_shared>>) target(%dma_start3A_30 : memref<624x128xf32, #tpu.memory_space<hbm>>) target_semaphore(%run_scoped3A : memref<!tpu.dma_semaphore, #tpu.memory_space<semaphore_mem>>)
          %dma_wait3A = arith.constant 0 : i32
          %dma_wait3A_33 = tpu.memref_slice %arg6[%mul3A_29, %dma_wait3A] : memref<10000x128xf32, #tpu.memory_space<hbm>> -> memref<624x128xf32, #tpu.memory_space<hbm>>
          %dma_wait3A_34 = arith.constant 0 : i32
          %dma_wait3A_35 = tpu.memref_slice %arg15[%mul3A_29, %dma_wait3A_34] : memref<10112x128xf32, #tpu.memory_space<vmem_shared>> -> memref<624x128xf32, #tpu.memory_space<vmem_shared>>
          tpu.wait_dma2 semaphore(%run_scoped3A : memref<!tpu.dma_semaphore, #tpu.memory_space<semaphore_mem>>) src(%dma_wait3A_35 : memref<624x128xf32, #tpu.memory_space<vmem_shared>>) dst(%dma_wait3A_33 : memref<624x128xf32, #tpu.memory_space<hbm>>)
          tpu.yield
        }) : () -> ()
      } else {
      }
      %eq3A_23 = arith.constant 15 : i32
      %eq3A_24 = arith.cmpi eq, %arg1, %eq3A_23 : i32
      %convert_element_type3A_25 = arith.extui %eq3A_24 : i1 to i32
      %cond3A_26 = arith.constant 0 : i32
      %cond3A_27 = arith.cmpi ne, %convert_element_type3A_25, %cond3A_26 : i32
      scf.if %cond3A_27 {
        "tpu.region"() ({
          %run_scoped3A = tpu.sem_alloc : memref<!tpu.dma_semaphore, #tpu.memory_space<semaphore_mem>>
          %dma_start3A = arith.constant 9360 : i32
          %dma_start3A_28 = arith.constant 0 : i32
          %dma_start3A_29 = tpu.memref_slice %arg6[%dma_start3A, %dma_start3A_28] : memref<10000x128xf32, #tpu.memory_space<hbm>> -> memref<640x128xf32, #tpu.memory_space<hbm>>
          %dma_start3A_30 = arith.constant 9360 : i32
          %dma_start3A_31 = arith.constant 0 : i32
          %dma_start3A_32 = tpu.memref_slice %arg15[%dma_start3A_30, %dma_start3A_31] : memref<10112x128xf32, #tpu.memory_space<vmem_shared>> -> memref<640x128xf32, #tpu.memory_space<vmem_shared>>
          tpu.enqueue_dma source(%dma_start3A_32 : memref<640x128xf32, #tpu.memory_space<vmem_shared>>) target(%dma_start3A_29 : memref<640x128xf32, #tpu.memory_space<hbm>>) target_semaphore(%run_scoped3A : memref<!tpu.dma_semaphore, #tpu.memory_space<semaphore_mem>>)
          %dma_wait3A = arith.constant 9360 : i32
          %dma_wait3A_33 = arith.constant 0 : i32
          %dma_wait3A_34 = tpu.memref_slice %arg6[%dma_wait3A, %dma_wait3A_33] : memref<10000x128xf32, #tpu.memory_space<hbm>> -> memref<640x128xf32, #tpu.memory_space<hbm>>
          %dma_wait3A_35 = arith.constant 9360 : i32
          %dma_wait3A_36 = arith.constant 0 : i32
          %dma_wait3A_37 = tpu.memref_slice %arg15[%dma_wait3A_35, %dma_wait3A_36] : memref<10112x128xf32, #tpu.memory_space<vmem_shared>> -> memref<640x128xf32, #tpu.memory_space<vmem_shared>>
          tpu.wait_dma2 semaphore(%run_scoped3A : memref<!tpu.dma_semaphore, #tpu.memory_space<semaphore_mem>>) src(%dma_wait3A_37 : memref<640x128xf32, #tpu.memory_space<vmem_shared>>) dst(%dma_wait3A_34 : memref<640x128xf32, #tpu.memory_space<hbm>>)
          tpu.yield
        }) : () -> ()
      } else {
      }
    } else {
    }
    %eq3A_14 = arith.constant 1 : i32
    %eq3A_15 = arith.cmpi eq, %arg0, %eq3A_14 : i32
    %convert_element_type3A_16 = arith.extui %eq3A_15 : i1 to i32
    %cond3A_17 = arith.constant 0 : i32
    %cond3A_18 = arith.cmpi ne, %convert_element_type3A_16, %cond3A_17 : i32
    scf.if %cond3A_18 {
      %lt3A = arith.constant 15 : i32
      %lt3A_19 = arith.cmpi slt, %arg1, %lt3A : i32
      %convert_element_type3A_20 = arith.extui %lt3A_19 : i1 to i32
      %cond3A_21 = arith.constant 0 : i32
      %cond3A_22 = arith.cmpi ne, %convert_element_type3A_20, %cond3A_21 : i32
      scf.if %cond3A_22 {
        %mul3A_28 = arith.constant 624 : i32
        %mul3A_29 = arith.muli %arg1, %mul3A_28 : i32
        "tpu.region"() ({
          %run_scoped3A = tpu.sem_alloc : memref<!tpu.dma_semaphore, #tpu.memory_space<semaphore_mem>>
          %dma_start3A = arith.constant 0 : i32
          %dma_start3A_30 = tpu.memref_slice %arg7[%mul3A_29, %dma_start3A] : memref<10000x128xf32, #tpu.memory_space<hbm>> -> memref<624x128xf32, #tpu.memory_space<hbm>>
          %dma_start3A_31 = arith.constant 0 : i32
          %dma_start3A_32 = tpu.memref_slice %arg15[%mul3A_29, %dma_start3A_31] : memref<10112x128xf32, #tpu.memory_space<vmem_shared>> -> memref<624x128xf32, #tpu.memory_space<vmem_shared>>
          tpu.enqueue_dma source(%dma_start3A_32 : memref<624x128xf32, #tpu.memory_space<vmem_shared>>) target(%dma_start3A_30 : memref<624x128xf32, #tpu.memory_space<hbm>>) target_semaphore(%run_scoped3A : memref<!tpu.dma_semaphore, #tpu.memory_space<semaphore_mem>>)
          %dma_wait3A = arith.constant 0 : i32
          %dma_wait3A_33 = tpu.memref_slice %arg7[%mul3A_29, %dma_wait3A] : memref<10000x128xf32, #tpu.memory_space<hbm>> -> memref<624x128xf32, #tpu.memory_space<hbm>>
          %dma_wait3A_34 = arith.constant 0 : i32
          %dma_wait3A_35 = tpu.memref_slice %arg15[%mul3A_29, %dma_wait3A_34] : memref<10112x128xf32, #tpu.memory_space<vmem_shared>> -> memref<624x128xf32, #tpu.memory_space<vmem_shared>>
          tpu.wait_dma2 semaphore(%run_scoped3A : memref<!tpu.dma_semaphore, #tpu.memory_space<semaphore_mem>>) src(%dma_wait3A_35 : memref<624x128xf32, #tpu.memory_space<vmem_shared>>) dst(%dma_wait3A_33 : memref<624x128xf32, #tpu.memory_space<hbm>>)
          tpu.yield
        }) : () -> ()
      } else {
      }
      %eq3A_23 = arith.constant 15 : i32
      %eq3A_24 = arith.cmpi eq, %arg1, %eq3A_23 : i32
      %convert_element_type3A_25 = arith.extui %eq3A_24 : i1 to i32
      %cond3A_26 = arith.constant 0 : i32
      %cond3A_27 = arith.cmpi ne, %convert_element_type3A_25, %cond3A_26 : i32
      scf.if %cond3A_27 {
        "tpu.region"() ({
          %run_scoped3A = tpu.sem_alloc : memref<!tpu.dma_semaphore, #tpu.memory_space<semaphore_mem>>
          %dma_start3A = arith.constant 9360 : i32
          %dma_start3A_28 = arith.constant 0 : i32
          %dma_start3A_29 = tpu.memref_slice %arg7[%dma_start3A, %dma_start3A_28] : memref<10000x128xf32, #tpu.memory_space<hbm>> -> memref<640x128xf32, #tpu.memory_space<hbm>>
          %dma_start3A_30 = arith.constant 9360 : i32
          %dma_start3A_31 = arith.constant 0 : i32
          %dma_start3A_32 = tpu.memref_slice %arg15[%dma_start3A_30, %dma_start3A_31] : memref<10112x128xf32, #tpu.memory_space<vmem_shared>> -> memref<640x128xf32, #tpu.memory_space<vmem_shared>>
          tpu.enqueue_dma source(%dma_start3A_32 : memref<640x128xf32, #tpu.memory_space<vmem_shared>>) target(%dma_start3A_29 : memref<640x128xf32, #tpu.memory_space<hbm>>) target_semaphore(%run_scoped3A : memref<!tpu.dma_semaphore, #tpu.memory_space<semaphore_mem>>)
          %dma_wait3A = arith.constant 9360 : i32
          %dma_wait3A_33 = arith.constant 0 : i32
          %dma_wait3A_34 = tpu.memref_slice %arg7[%dma_wait3A, %dma_wait3A_33] : memref<10000x128xf32, #tpu.memory_space<hbm>> -> memref<640x128xf32, #tpu.memory_space<hbm>>
          %dma_wait3A_35 = arith.constant 9360 : i32
          %dma_wait3A_36 = arith.constant 0 : i32
          %dma_wait3A_37 = tpu.memref_slice %arg15[%dma_wait3A_35, %dma_wait3A_36] : memref<10112x128xf32, #tpu.memory_space<vmem_shared>> -> memref<640x128xf32, #tpu.memory_space<vmem_shared>>
          tpu.wait_dma2 semaphore(%run_scoped3A : memref<!tpu.dma_semaphore, #tpu.memory_space<semaphore_mem>>) src(%dma_wait3A_37 : memref<640x128xf32, #tpu.memory_space<vmem_shared>>) dst(%dma_wait3A_34 : memref<640x128xf32, #tpu.memory_space<hbm>>)
          tpu.yield
        }) : () -> ()
      } else {
      }
    } else {
    }
    return
  }
}

module attributes {stable_mosaic.version = 14 : i64} {
  func.func @_gates_body(%arg0: i32, %arg1: memref<2000x128xf32, #tpu.memory_space<vmem>>, %arg2: memref<2000x128xf32, #tpu.memory_space<vmem>>, %arg3: memref<128x128xf32, #tpu.memory_space<vmem>>, %arg4: memref<1x128xf32, #tpu.memory_space<vmem>>, %arg5: memref<128x384xf32, #tpu.memory_space<vmem>>, %arg6: memref<1x384xf32, #tpu.memory_space<vmem>>, %arg7: memref<2000x128xf32, #tpu.memory_space<vmem>>, %arg8: memref<2000x128xf32, #tpu.memory_space<vmem>>) attributes {dimension_semantics = [#tpu.dimension_semantics<arbitrary>], iteration_bounds = array<i64: 5>, scalar_prefetch = 0 : i64, scratch_operands = 0 : i64, tpu.core_type = #tpu.core_type<tc>, window_params = [{transform_indices = @transform_0, window_bounds = array<i64: 2000, 128>}, {transform_indices = @transform_1, window_bounds = array<i64: 2000, 128>}, {pipeline_mode = #tpu.pipeline_mode<synchronous>, transform_indices = @transform_2, window_bounds = array<i64: 128, 128>}, {pipeline_mode = #tpu.pipeline_mode<synchronous>, transform_indices = @transform_3, window_bounds = array<i64: 1, 128>}, {pipeline_mode = #tpu.pipeline_mode<synchronous>, transform_indices = @transform_4, window_bounds = array<i64: 128, 384>}, {pipeline_mode = #tpu.pipeline_mode<synchronous>, transform_indices = @transform_5, window_bounds = array<i64: 1, 384>}, {transform_indices = @transform_6, window_bounds = array<i64: 2000, 128>}, {transform_indices = @transform_7, window_bounds = array<i64: 2000, 128>}]} {
    %get3A = arith.constant 0 : index
    %get3A_0 = arith.constant 0 : index
    %get3A_1 = vector.load %arg1[%get3A, %get3A_0] : memref<2000x128xf32, #tpu.memory_space<vmem>>, vector<2000x128xf32>
    %get3A_2 = arith.constant 0 : index
    %get3A_3 = arith.constant 0 : index
    %get3A_4 = vector.load %arg3[%get3A_2, %get3A_3] : memref<128x128xf32, #tpu.memory_space<vmem>>, vector<128x128xf32>
    %dot_general3A = arith.constant dense<0.000000e+00> : vector<2000x128xf32>
    %dot_general3A_5 = tpu.matmul %get3A_1, %get3A_4, %dot_general3A {dimension_numbers = #tpu.dot_dimension_numbers<[1], [0], [0], [1], [0, 0, 1, 1], [], []>, transpose_lhs_hint = false} : vector<2000x128xf32>, vector<128x128xf32>, vector<2000x128xf32> -> vector<2000x128xf32>
    %get3A_6 = arith.constant 0 : index
    %get3A_7 = arith.constant 0 : index
    %get3A_8 = vector.load %arg4[%get3A_6, %get3A_7] : memref<1x128xf32, #tpu.memory_space<vmem>>, vector<1x128xf32>
    %add3A = vector.broadcast %get3A_8 : vector<1x128xf32> to vector<2000x128xf32>
    %add3A_9 = arith.addf %dot_general3A_5, %add3A : vector<2000x128xf32>
    %logistic3A = arith.negf %add3A_9 : vector<2000x128xf32>
    %logistic3A_10 = math.exp %logistic3A : vector<2000x128xf32>
    %logistic3A_11 = arith.constant 1.000000e+00 : f32
    %logistic3A_12 = vector.broadcast %logistic3A_11 : f32 to vector<2000x128xf32>
    %logistic3A_13 = arith.addf %logistic3A_12, %logistic3A_10 : vector<2000x128xf32>
    %logistic3A_14 = arith.divf %logistic3A_12, %logistic3A_13 : vector<2000x128xf32>
    %get3A_15 = arith.constant 0 : index
    %get3A_16 = arith.constant 0 : index
    %get3A_17 = vector.load %arg2[%get3A_15, %get3A_16] : memref<2000x128xf32, #tpu.memory_space<vmem>>, vector<2000x128xf32>
    %mul3A = arith.mulf %logistic3A_14, %get3A_17 : vector<2000x128xf32>
    %get3A_18 = arith.constant 0 : index
    %get3A_19 = arith.constant 0 : index
    %get3A_20 = vector.load %arg5[%get3A_18, %get3A_19] : memref<128x384xf32, #tpu.memory_space<vmem>>, vector<128x384xf32>
    %dot_general3A_21 = arith.constant dense<0.000000e+00> : vector<2000x384xf32>
    %dot_general3A_22 = tpu.matmul %get3A_1, %get3A_20, %dot_general3A_21 {dimension_numbers = #tpu.dot_dimension_numbers<[1], [0], [0], [1], [0, 0, 1, 1], [], []>, transpose_lhs_hint = false} : vector<2000x128xf32>, vector<128x384xf32>, vector<2000x384xf32> -> vector<2000x384xf32>
    %get3A_23 = arith.constant 0 : index
    %get3A_24 = arith.constant 0 : index
    %get3A_25 = vector.load %arg6[%get3A_23, %get3A_24] : memref<1x384xf32, #tpu.memory_space<vmem>>, vector<1x384xf32>
    %add3A_26 = vector.broadcast %get3A_25 : vector<1x384xf32> to vector<2000x384xf32>
    %add3A_27 = arith.addf %dot_general3A_22, %add3A_26 : vector<2000x384xf32>
    %slice3A = vector.extract_strided_slice %add3A_27 {offsets = [0, 0], sizes = [2000, 128], strides = [1, 1]} : vector<2000x384xf32> to vector<2000x128xf32>
    %logistic3A_28 = arith.negf %slice3A : vector<2000x128xf32>
    %logistic3A_29 = math.exp %logistic3A_28 : vector<2000x128xf32>
    %logistic3A_30 = arith.constant 1.000000e+00 : f32
    %logistic3A_31 = vector.broadcast %logistic3A_30 : f32 to vector<2000x128xf32>
    %logistic3A_32 = arith.addf %logistic3A_31, %logistic3A_29 : vector<2000x128xf32>
    %logistic3A_33 = arith.divf %logistic3A_31, %logistic3A_32 : vector<2000x128xf32>
    %slice3A_34 = vector.extract_strided_slice %add3A_27 {offsets = [0, 128], sizes = [2000, 128], strides = [1, 1]} : vector<2000x384xf32> to vector<2000x128xf32>
    %logistic3A_35 = arith.negf %slice3A_34 : vector<2000x128xf32>
    %logistic3A_36 = math.exp %logistic3A_35 : vector<2000x128xf32>
    %logistic3A_37 = arith.constant 1.000000e+00 : f32
    %logistic3A_38 = vector.broadcast %logistic3A_37 : f32 to vector<2000x128xf32>
    %logistic3A_39 = arith.addf %logistic3A_38, %logistic3A_36 : vector<2000x128xf32>
    %logistic3A_40 = arith.divf %logistic3A_38, %logistic3A_39 : vector<2000x128xf32>
    %slice3A_41 = vector.extract_strided_slice %add3A_27 {offsets = [0, 256], sizes = [2000, 128], strides = [1, 1]} : vector<2000x384xf32> to vector<2000x128xf32>
    %tanh3A = math.tanh %slice3A_41 : vector<2000x128xf32>
    %mul3A_42 = arith.mulf %logistic3A_33, %tanh3A : vector<2000x128xf32>
    %add3A_43 = arith.addf %mul3A_42, %mul3A : vector<2000x128xf32>
    %swap3A = arith.constant 0 : index
    %swap3A_44 = arith.constant 0 : index
    %swap3A_45 = vector.load %arg8[%swap3A, %swap3A_44] : memref<2000x128xf32, #tpu.memory_space<vmem>>, vector<2000x128xf32>
    tpu.vector_store %arg8[%swap3A, %swap3A_44], %add3A_43 {strides = array<i32>} : memref<2000x128xf32, #tpu.memory_space<vmem>>, vector<2000x128xf32>,
    %tanh3A_46 = math.tanh %add3A_43 : vector<2000x128xf32>
    %mul3A_47 = arith.mulf %logistic3A_40, %tanh3A_46 : vector<2000x128xf32>
    %swap3A_48 = arith.constant 0 : index
    %swap3A_49 = arith.constant 0 : index
    %swap3A_50 = vector.load %arg7[%swap3A_48, %swap3A_49] : memref<2000x128xf32, #tpu.memory_space<vmem>>, vector<2000x128xf32>
    tpu.vector_store %arg7[%swap3A_48, %swap3A_49], %mul3A_47 {strides = array<i32>} : memref<2000x128xf32, #tpu.memory_space<vmem>>, vector<2000x128xf32>,
    return
  }
  func.func @transform_0(%arg0: i32) -> (i32, i32) {
    %c0_i32 = arith.constant 0 : i32
    %c0_i32_0 = arith.constant 0 : i32
    return %arg0, %c0_i32 : i32, i32
  }
  func.func @transform_1(%arg0: i32) -> (i32, i32) {
    %c0_i32 = arith.constant 0 : i32
    %c0_i32_0 = arith.constant 0 : i32
    return %arg0, %c0_i32 : i32, i32
  }
  func.func @transform_2(%arg0: i32) -> (i32, i32) {
    %c0_i32 = arith.constant 0 : i32
    %c0_i32_0 = arith.constant 0 : i32
    %c0_i32_1 = arith.constant 0 : i32
    return %c0_i32, %c0_i32_0 : i32, i32
  }
  func.func @transform_3(%arg0: i32) -> (i32, i32) {
    %c0_i32 = arith.constant 0 : i32
    %c0_i32_0 = arith.constant 0 : i32
    %c0_i32_1 = arith.constant 0 : i32
    return %c0_i32, %c0_i32_0 : i32, i32
  }
  func.func @transform_4(%arg0: i32) -> (i32, i32) {
    %c0_i32 = arith.constant 0 : i32
    %c0_i32_0 = arith.constant 0 : i32
    %c0_i32_1 = arith.constant 0 : i32
    return %c0_i32, %c0_i32_0 : i32, i32
  }
  func.func @transform_5(%arg0: i32) -> (i32, i32) {
    %c0_i32 = arith.constant 0 : i32
    %c0_i32_0 = arith.constant 0 : i32
    %c0_i32_1 = arith.constant 0 : i32
    return %c0_i32, %c0_i32_0 : i32, i32
  }
  func.func @transform_6(%arg0: i32) -> (i32, i32) {
    %c0_i32 = arith.constant 0 : i32
    %c0_i32_0 = arith.constant 0 : i32
    return %arg0, %c0_i32 : i32, i32
  }
  func.func @transform_7(%arg0: i32) -> (i32, i32) {
    %c0_i32 = arith.constant 0 : i32
    %c0_i32_0 = arith.constant 0 : i32
    return %arg0, %c0_i32 : i32, i32
  }
}

</mosaic_0001>

<sc_bundles>
// kernel: kernel.4.cloned.1.call-start
scs
__scs_entry_jumppad:
0x0: {  	(pc) =	sbr.rel $0x88, $3  }
0x1: {  	(tag) =	ssettag $0x0;
	lr =	simm.s32 $0x1  }
0x2: {  	[smem:$0x3F9A] =	sst lr;
	_ =	strace $0xD0000000  }
0x3: {  	_ = 	snop  }
0x4: {  	_ = 	snop  }
0x5: {  	_ = 	snop  }
0x6: {  	_ = 	snop  }
0x7: {  	_ = 	snop  }
__scs_overlays_trampoline_lowered:
0x8: {  	[smem:$0x3FA9] =	sst s0  }
0x9: {  	[smem:$0x3FAA] =	sst s1  }
0xa: {  	[smem:$0x3FAB] =	sst s2  }
0xb: {  	[smem:$0x3FAC] =	sst s3  }
0xc: {  	[smem:$0x3FAD] =	sst s4  }
0xd: {  	[smem:$0x3FAE] =	sst s5  }
0xe: {  	[smem:$0x3FAF] =	sst s6  }
0xf: {  	[smem:$0x3FB0] =	sst s7  }
0x10: {  	[smem:$0x3FB1] =	sst s8  }
0x11: {  	[smem:$0x3FB2] =	sst s9;
	s0 =	simm.s32 @!p0 $0x0  }
0x12: {  	s1 =	sld [smem:$0x3F98];
	s0 =	simm.s32 @p0 $0x1  }
0x13: {  	[smem:$0x3FB3] =	sst s0;
	s0 =	simm.s32 @!p1 $0x0  }
0x14: {  	s2 =	sld [smem:$0x3F97];
	s0 =	simm.s32 @p1 $0x1  }
0x15: {  	[smem:$0x3FB4] =	sst s0;
	s0 =	simm.s32 @!p2 $0x0  }
0x16: {  	s3 =	sld [smem:$0x3FDB];
	s0 =	simm.s32 @p2 $0x1  }
0x17: {  	s4 =	simm.s32 $0x1BF5;
	[smem:$0x3FB6] =	sst s0  }
0x18: {  	s0 =	sld [smem:$0x3F99];
	_ =	swait.ge [sflag:s4], $0x0  }
0x19: {  	s7 =	sld [smem:$0x3F9A]  }
0x1a: {  	s8 =	sadd.s32 $0xFFFFE003, lr  }
0x1b: {  	s9 =	sadd.s32 $0xFFFFFEF7, lr;
	s5 =	simm.s32 $0xFFFFFFFF;
	p2 =	slt.u32 s8, $0xFFFFF086  }
0x1c: {  	p1 =	slt.u32 s9, $0xF7A;
	s5 =	simm.s32 @!p2 $0x0  }
0x1d: {  	s5 =	simm.s32 @p1 $0x1;
	p0 =	seq.s32 s7, s2  }
0x1e: {  	s7 =	smul.u32 @!p0 $0xF7A, s2;
	p2 =	seq.s32 @!p0 s5, $0x0  }
0x1f: {  	s9 =	smul.u32 $0xF7A, s1;
	s8 =	simm.s32 @!p0 $0x1BF5;
	p2 =	por !p2, p0  }
0x20: {  	[sflag:s8] =	ssyncset.s32 @!p0 $0xFFFFF086;
	s6 =	sadd.s32 @!p0 s3, s7;
	s7 =	simm.s32 @!p0 $0x108  }
0x21: {  	s3 =	sadd.s32 s3, s9;
	s6 =	sadd.s32 @!p0 $0x88, s6;
	s7 =	simm.s32 @p2 $0x1082  }
0x22: {  	[simem:s7], [sflag:s8] =	dma.local @!p0 [hbm:s6], $0xF7A  }
0x23: {  	s9 =	sor.u32 $0xD0000000, s2;
	s6 =	simm.s32 $0x108;
	_ =	swait.ge @!p0 [sflag:s8], $0x0  }
0x24: {  	s3 =	sadd.s32 $0x88, s3;
	s6 =	simm.s32 @!p1 $0x1082;
	[sflag:s4] =	ssyncset.s32 $0xFFFFF086  }
0x25: {  	[simem:s6], [sflag:s4] =	dma.local [hbm:s3], $0xF7A  }
0x26: {  	[smem:$0x3F9A] =	sst s1;
	(tag) =	ssettag s2;
	_ =	strace s9  }
0x27: {  	s1 =	sld [smem:$0x3FAA]  }
0x28: {  	s2 =	sld [smem:$0x3FAB]  }
0x29: {  	s4 =	sld [smem:$0x3FAD]  }
0x2a: {  	p0 =	seq.s32 s5, $0x0;
	s5 =	sld [smem:$0x3FAE]  }
0x2b: {  	s6 =	sld [smem:$0x3FAF]  }
0x2c: {  	s7 =	sld [smem:$0x3FB0]  }
0x2d: {  	s3 =	simm.s32 $0x108;
	s8 =	sld [smem:$0x3FB1]  }
0x2e: {  	s3 =	simm.s32 @!p0 $0x1082;
	s9 =	sld [smem:$0x3FB2]  }
0x2f: {  	lr =	sadd.s32 s0, s3;
	s0 =	sld [smem:$0x3FA9]  }
0x30: {  	s3 =	sld [smem:$0x3FAC]  }
0x31: {  	[smem:$0x3FB5] =	sst s10  }
0x32: {  	s10 =	sld [smem:$0x3FB3];
	_ =	sdelay $0x3  }
0x33: {  	p0 =	seq.s32 s10, $0x1;
	s10 =	sld [smem:$0x3FB5];
	_ =	sdelay $0x3  }
0x34: {  	[smem:$0x3FB5] =	sst s10  }
0x35: {  	s10 =	sld [smem:$0x3FB4];
	_ =	sdelay $0x3  }
0x36: {  	p1 =	seq.s32 s10, $0x1;
	s10 =	sld [smem:$0x3FB5];
	_ =	sdelay $0x3  }
0x37: {  	[smem:$0x3FB5] =	sst s10  }
0x38: {  	s10 =	sld [smem:$0x3FB6]  }
0x39: {  	_ = 	snop;
	(pc) =	sbr.ind lr, $3  }
0x3a: {  	_ = 	snop  }
0x3b: {  	_ = 	snop  }
0x3c: {  	p2 =	seq.s32 s10, $0x1;
	s10 =	sld [smem:$0x3FB5]  }
0x3d: {  	_ =	shalt  }
0x3e: {  	_ =	shalt  }
0x3f: {  	_ =	shalt  }
0x40: {  	_ =	shalt  }
0x41: {  	_ =	shalt  }
0x42: {  	_ =	shalt  }
0x43: {  	_ =	shalt  }
0x44: {  	_ =	shalt  }
0x45: {  	_ =	shalt  }
0x46: {  	_ =	shalt  }
0x47: {  	_ =	shalt  }
0x48: {  	_ =	shalt  }
0x49: {  	_ =	shalt  }
0x4a: {  	_ =	shalt  }
0x4b: {  	_ =	shalt  }
0x4c: {  	_ =	shalt  }
0x4d: {  	_ =	shalt  }
0x4e: {  	_ =	shalt  }
0x4f: {  	_ =	shalt  }
0x50: {  	_ =	shalt  }
0x51: {  	_ =	shalt  }
0x52: {  	_ =	shalt  }
0x53: {  	_ =	shalt  }
0x54: {  	_ =	shalt  }
0x55: {  	_ =	shalt  }
0x56: {  	_ =	shalt  }
0x57: {  	_ =	shalt  }
0x58: {  	_ =	shalt  }
0x59: {  	_ =	shalt  }
0x5a: {  	_ =	shalt  }
0x5b: {  	_ =	shalt  }
0x5c: {  	_ =	shalt  }
0x5d: {  	_ =	shalt  }
0x5e: {  	_ =	shalt  }
0x5f: {  	_ =	shalt  }
0x60: {  	_ =	shalt  }
0x61: {  	_ =	shalt  }
0x62: {  	_ =	shalt  }
0x63: {  	_ =	shalt  }
0x64: {  	_ =	shalt  }
0x65: {  	_ =	shalt  }
0x66: {  	_ =	shalt  }
0x67: {  	_ =	shalt  }
0x68: {  	_ =	shalt  }
0x69: {  	_ =	shalt  }
0x6a: {  	_ =	shalt  }
0x6b: {  	_ =	shalt  }
0x6c: {  	_ =	shalt  }
0x6d: {  	_ =	shalt  }
0x6e: {  	_ =	shalt  }
0x6f: {  	_ =	shalt  }
0x70: {  	_ =	shalt  }
0x71: {  	_ =	shalt  }
0x72: {  	_ =	shalt  }
0x73: {  	_ =	shalt  }
0x74: {  	_ =	shalt  }
0x75: {  	_ =	shalt  }
0x76: {  	_ =	shalt  }
0x77: {  	_ =	shalt  }
0x78: {  	_ =	shalt  }
0x79: {  	_ =	shalt  }
0x7a: {  	_ =	shalt  }
0x7b: {  	_ =	shalt  }
0x7c: {  	_ =	shalt  }
0x7d: {  	_ =	shalt  }
0x7e: {  	_ =	shalt  }
0x7f: {  	_ =	shalt  }
0x80: {  	_ =	shalt  }
0x81: {  	_ =	shalt  }
0x82: {  	_ =	shalt  }
0x83: {  	_ =	shalt  }
0x84: {  	_ =	shalt  }
0x85: {  	_ =	shalt  }
0x86: {  	_ =	shalt  }
0x87: {  	_ =	shalt  }
.Lfunc_end0:
.L_simem_size_0:
called_computation_lowered:
.L_overlay_start_0:
0x88: {  	s2 =	sld [smem:$0x3FD9]  }
0x89: {  	s3 =	sld [smem:$0x3FFE];
	_ =	sdelay $0x1  }
0x8a: {  	s1 =	srdreg.scid  }
0x8b: {  	s0 =	sand.u32 $0x1, s1  }
0x8c: {  	s14 =	sshll.u32 s0, $0xA;
	s2 =	sadd.s32 s3, s2  }
0x8d: {  	s2 =	sadd.s32 s2, s14  }
0x8e: {  	[smem:$0x3FC1] =	sst s2  }
0x8f: {  	_ = 	snop  }
0x90: {  	s2 =	sld [smem:$0x3FD0];
	_ =	sdelay $0x1  }
0x91: {  	s15 =	sld [smem:$0x3FC9]  }
0x92: {  	s5 =	simm.s32 $0xA;
	s6 =	simm.s32 $0x10;
	s4 =	sld [smem:$0x3FC8]  }
0x93: {  	[smem:s6], [sflag:s5] =	dma.local [hbm:s2], $0x1  }
0x94: {  	_ =	swait.eq [sflag:s5], $0x1  }
0x95: {  	[sflag:s5] =	ssyncset.done $0x0  }
0x96: {  	s16 =	sld [smem:$0x10];
	[sflag:s5] =	ssyncadd.s32 $0xFFFFFFFF  }
0x97: {  	s17 =	sld [smem:$0x11];
	(tm) =	ssettm $0x1  }
0x98: {  	s18 =	sld [smem:$0x3FFB];
	_ =	sdelay $0x3  }
0x99: {  	_ =	strace s18  }
0x9a: {  	s6 =	sld [smem:$0x3FFC];
	_ =	sdelay $0x3  }
0x9b: {  	_ =	strace s6  }
0x9c: {  	s6 =	sld [smem:$0x3FFD];
	_ =	sdelay $0x3  }
0x9d: {  	_ =	strace s6  }
0x9e: {  	_ =	strace $0x8FFFFFFF  }
0x9f: {  	s19 =	sld [smem:$0x3FDB];
	_ =	sdelay $0x1  }
0xa0: {  	s7 =	simm.s32 $_scs_section_size  }
0xa1: {  	s8 =	simm.s32 $_size__tile_overlayer_lowered;
	s9 =	simm.s32 $_tile_overlayer_lowered  }
0xa2: {  	s22 =	simm.s32 $0x1BFF;
	s21 =	sshll.u32 s9, $0x1;
	s6 =	sadd.s32 s7, s19  }
0xa3: {  	s10 =	simm.s32 $0x0;
	s20 =	sshll.u32 s8, $0x1;
	s8 =	sadd.s32 s21, s6  }
0xa4: {  	[timem:s10], [sflag:s22] =	dma.local [hbm:s8], s20  }
0xa5: {  	_ =	swait.ge [sflag:s22], s20  }
0xa6: {  	s7 =	ssub.s32 $0x0, s20;
	[sflag:s22] =	ssyncset.done $0x0  }
0xa7: {  	[sflag:s22] =	ssyncadd.s32 s7;
	_ =	sdelay $0x1  }
0xa8: {  	s23 =	simm.s32 $0x1B8B  }
0xa9: {  	_ =	swait.ge [sflag:s23], $0x1  }
0xaa: {  	[sflag:s23] =	ssyncset.done $0x0  }
0xab: {  	s25 =	simm.s32 $0x1B8E;
	s24 =	sld [smem:$0x3FFE];
	[sflag:s23] =	ssyncadd.s32 $0xFFFFFFFF  }
0xac: {  	s26 =	simm.s32 $execute0_lowered;
	[smem:$0x3FD2] =	sst s25  }
0xad: {  	s8 =	sshll.u32 s26, $0x1;
	_ =	strace $0x80000046;
	[dreg:$0x1] =	wrdreg $0xFFFFFFFF  }
0xae: {  	s28 =	simm.s32 $_size_execute0_lowered;
	s6 =	sadd.s32 s6, s8;
	[dreg:$0x0] =	wrdreg $0x0  }
0xaf: {  	s8 =	sshll.u32 s28, $0x1;
	[dreg:$0x2] =	wrdreg s6  }
0xb0: {  	[dreg:$0x3] =	wrdreg s8  }
0xb1: {  	[dreg:$0x4] =	wrdreg $0xC0  }
0xb2: {  	_ =	task [dreg:s10], $0x5FFFF  }
0xb3: {  	[dreg:$0x1] =	wrdreg $0xFFFFFFFF  }
0xb4: {  	[dreg:$0x0] =	wrdreg $0x60  }
0xb5: {  	[dreg:$0x2] =	wrdreg s15  }
0xb6: {  	[dreg:$0x3] =	wrdreg s4  }
0xb7: {  	[dreg:$0x4] =	wrdreg s24  }
0xb8: {  	[dreg:$0x5] =	wrdreg s17  }
0xb9: {  	[dreg:$0x6] =	wrdreg s16  }
0xba: {  	[dreg:$0x7] =	wrdreg $0xB0800  }
0xbb: {  	[dreg:$0x8] =	wrdreg $0x9  }
0xbc: {  	_ =	task.clear_ibuf [dreg:s10], $0x9FFFF;
	_ =	strace $0x90000046  }
0xbd: {  	s29 =	simm.s32 $0x9;
	_ =	strace $0x80000048  }
0xbe: {  	_ =	swait.ge [sflag:s29], $0x1  }
0xbf: {  	[sflag:s29] =	ssyncadd.s32 $0xFFFFFFFF  }
0xc0: {  	_ =	strace $0x90000048  }
0xc1: {  	_ =	sfence  }
0xc2: {  	s30 =	sld [smem:$0x0];
	_ =	sdelay $0x2  }
0xc3: {  	s31 =	sshll.u32 s1, $0xD;
	s1 =	sshrl.u32 s1, $0x2  }
0xc4: {  	s3 =	sand.u32 $0x4000, s31;
	s1 =	sadd.s32 s1, s30  }
0xc5: {  	s0 =	sor.u32 s3, s0;
	s1 =	sshll.u32 s1, $0x11  }
0xc6: {  	s0 =	sor.u32 s1, s0  }
0xc7: {  	s0 =	sadd.s32 $0x8F2B, s0  }
0xc8: {  	[sflag:s0] =	ssyncadd.remote.s32 $0x1  }
0xc9: {  	_ =	sfence.sel $0xFFFF  }
0xca: {  	[dreg:$0x0] =	wrdreg $0xFFFFFFFF;
	(pc) =	sbr.abs _section_cstart, $3  }
0xcb: {  	[dreg:$0x1] =	wrdreg $0xFFFFFFFF  }
0xcc: {  	_ =	task.clear_ibuf [dreg:s10], $0x2FFFF;
	_ =	strace $0x9FFFFFFF  }
0xcd: {  	(tm) =	ssettm $0x7FFFFFFF  }
tec
execute0_lowered:
.L_overlay_start_1:
0x0: {  	(tag) =	ssettag $0x1  }
0x1: {  	s1 =	rddreg [dreg:$0x0]  }
0x2: {  	s2 =	rddreg [dreg:$0x1]  }
0x3: {  	s0 =	rddreg [dreg:$0x2]  }
0x4: {  	s3 =	rddreg [dreg:$0x3]  }
0x5: {  	s14 =	stileid.u32;
	s10 =	rddreg [dreg:$0x4]  }
0x6: {  	s4 =	rddreg [dreg:$0x5];
	s19 =	srdreg.scid;
	s17 =	simm.s32 $0x5  }
0x7: {  	s28 =	simm.s32 $0x2;
	s29 =	simm.s32 $0x5000;
	s30 =	simm.s32 $0x3  }
0x8: {  	s31 =	simm.s32 $0x4;
	s5 =	sshrl.u32 s14, $0x3;
	s20 =	smul.u32 $0x4F000, s14  }
0x9: {  	s7 =	sshll.u32 s14, $0x7;
	s12 =	sand.u32 $0x1, s19;
	s13 =	smul.u32 $0x4E000, s14  }
0xa: {  	s22 =	sshll.u32 s14, $0x6;
	s24 =	smul.u32 $0x2700, s14;
	p1 =	seq.s32 s14, $0xF  }
0xb: {  	s6 =	smul.u32 $0x27400, s5;
	s5 =	simm.s32 $0x0;
	s7 =	sand.u32 $0x380, s7  }
0xc: {  	s9 =	ssub.s32 $0x2, s12;
	p0 =	sne.s32 s12, $0x0;
	[smem:$0x7FF] =	sst s5  }
0xd: {  	s11 =	sshrl.u32 s9, $0x1;
	s23 =	sshrl.u32 s13, $0x2;
	s25 =	sadd.s32 s10, s24  }
0xe: {  	s10 =	sadd.s32 $0x24900, s10;
	s26 =	sadd.s32 s3, s24;
	s3 =	sadd.s32 $0x24900, s3  }
0xf: {  	s24 =	simm.s32 $0x8080;
	_ =	strace $0x80000047;
	[dreg:$0x7] =	wrdreg s25  }
0x10: {  	s6 =	sor.u32 s7, s6;
	s7 =	sshrl.u32 s20, $0x2;
	[dreg:$0x8] =	wrdreg s10  }
0x11: {  	s21 =	ssub.s32 s9, s11;
	s9 =	sadd.s32 s23, s4;
	[dreg:$0x9] =	wrdreg s26  }
0x12: {  	s11 =	sadd.s32 $0x124800, s4;
	[dreg:$0xa] =	wrdreg s3;
	s20 =	simm.s32 $0x60  }
.Ltmp0:
0x13: {  	s23 =	simm.s32 $0x4F00;
	s25 =	simm.s32 $0x1;
	(pc) =	sbr.rel .LBB2_1-.Ltmp0, $4  }
0x14: {  	s26 =	simm.s32 $0x4F80;
	s3 =	simm.s32 $0x0;
	s6 =	sshrl.u32 s6, $0x3  }
0x15: {  	s16 =	sadd.s32 s7, s4;
	s7 =	sor.u32 $0x1C05, s22;
	s15 =	smax.u32 s21, $0x1  }
0x16: {  	s21 =	simm.s32 $0x4E80;
	s22 =	simm.s32 $0x5080;
	s8 =	sadd.s32 s6, s0  }
0x17: {  	s6 =	sadd.s32 $0xAA00, s0;
	s16 =	sshrl.u32 s16, $0x3;
	s8 =	sadd.s32 $0xC00, s8  }
.LBB2_7:
0x18: {  	v1 =	vand.u32 $0x3FFF, v0  }
0x19: {  	v48 =	vshrl.u32 v0, $0xE;
	[tilespmem:$0x4F50] =	vst v1  }
0x1a: {  	[tilespmem:$0x5050] =	vst v48  }
0x1b: {  	[tilespmem:s22], [sflag:$0x1] =	stream.indirect.gather [hbm4b:s2+s20], $0x80, s21, s20, $0xb8;
	[tilespmem:$0x1EC80] =	vst v63  }
0x1c: {  	_ = 	snop  }
0x1d: {  	[tilespmem:s24], [sflag:$0x2] =	stream.indirect.gather [hbm4b:s2+s20], $0x80, s23, s20, $0xb8;
	[tilespmem:$0x1EC80] =	vst v63  }
0x1e: {  	_ =	swait.ge [sflag:s25], $0x3000  }
0x1f: {  	[sflag:s25] =	ssyncset.done $0x0  }
0x20: {  	[sflag:s25] =	ssyncadd.s32 $0xFFFFD000  }
0x21: {  	[spmem:s4] =	stream.indirect.scatter.add.f32 [tilespmem:s22], [sflag:$0x3], $0x80, s26, s20, $0xb8;
	[tilespmem:$0x1EC80] =	vst v63  }
0x22: {  	_ =	swait.ge [sflag:s28], $0x3000  }
0x23: {  	[sflag:s28] =	ssyncset.done $0x0  }
0x24: {  	[sflag:s28] =	ssyncadd.s32 $0xFFFFD000  }
0x25: {  	[spmem:s4] =	stream.indirect.scatter.add.f32 [tilespmem:s24], [sflag:$0x4], $0x80, s29, s20, $0xb8;
	[tilespmem:$0x1EC80] =	vst v63  }
0x26: {  	_ =	swait.ge [sflag:s30], $0x3000  }
0x27: {  	[sflag:s30] =	ssyncset.done $0x0  }
0x28: {  	[sflag:s30] =	ssyncadd.s32 $0xFFFFD000  }
0x29: {  	_ =	swait.ge [sflag:s31], $0x3000  }
0x2a: {  	[sflag:s31] =	ssyncset.done $0x0  }
0x2b: {  	[sflag:s31] =	ssyncadd.s32 $0xFFFFD000  }
0x2c: {  	v49 =	vld [tilespmem:$0x4E00];
	_ =	sdelay $0x1  }
0x2d: {  	v50 =	vld [tilespmem:$0x4E10];
	_ =	sdelay $0x1  }
0x2e: {  	v2 =	vld [tilespmem:$0x4E20]  }
0x2f: {  	v3 =	vand.u32 $0x3FFF, v49  }
0x30: {  	v51 =	vld [tilespmem:$0x4E30];
	v0 =	vshrl.u32 v49, $0xE;
	[tilespmem:$0x4E80] =	vst v3  }
0x31: {  	v52 =	vand.u32 $0x3FFF, v50;
	[tilespmem:$0x4F80] =	vst v0  }
0x32: {  	v54 =	vld [tilespmem:$0x4E40];
	v53 =	vshrl.u32 v50, $0xE;
	[tilespmem:$0x4E90] =	vst v52  }
0x33: {  	v55 =	vand.u32 $0x3FFF, v2;
	[tilespmem:$0x4F90] =	vst v53  }
0x34: {  	v57 =	vld [tilespmem:$0x4E50];
	v56 =	vshrl.u32 v2, $0xE;
	[tilespmem:$0x4EA0] =	vst v55  }
0x35: {  	v58 =	vand.u32 $0x3FFF, v51;
	[tilespmem:$0x4FA0] =	vst v56  }
0x36: {  	v59 =	vshrl.u32 v51, $0xE;
	[tilespmem:$0x4EB0] =	vst v58  }
0x37: {  	v60 =	vand.u32 $0x3FFF, v54;
	[tilespmem:$0x4FB0] =	vst v59  }
0x38: {  	v61 =	vshrl.u32 v54, $0xE;
	[tilespmem:$0x4EC0] =	vst v60  }
0x39: {  	v62 =	vand.u32 $0x3FFF, v57;
	[tilespmem:$0x4FC0] =	vst v61  }
0x3a: {  	v63 =	vshrl.u32 v57, $0xE;
	[tilespmem:$0x4ED0] =	vst v62  }
0x3b: {  	[tilespmem:$0x4FD0] =	vst v63  }
0x3c: {  	[tilespmem:s22], [sflag:$0x5] =	stream.indirect.gather [hbm4b:s2+s20], $0x80, s21, s20, $0xb8;
	[tilespmem:$0x1EC80] =	vst v63  }
0x3d: {  	_ =	swait.ge [sflag:s17], $0x3000  }
0x3e: {  	[sflag:s17] =	ssyncset.done $0x0  }
0x3f: {  	[sflag:s17] =	ssyncadd.s32 $0xFFFFD000  }
0x40: {  	[spmem:s4] =	stream.indirect.scatter.add.f32 [tilespmem:s22], [sflag:$0x5], $0x80, s26, s20, $0xb8;
	[tilespmem:$0x1EC80] =	vst v63  }
0x41: {  	_ =	swait.ge [sflag:s17], $0x3000  }
0x42: {  	[sflag:s17] =	ssyncset.done $0x0  }
0x43: {  	[sflag:s17] =	ssyncadd.s32 $0xFFFFD000  }
0x44: {  	[bflag:$0x0] =	sbarrier.arrive $0xFFFF  }
0x45: {  	s10 =	rddreg [dreg:$0x8]  }
0x46: {  	[hbm:s10], [sflag:s7] =	dma.local @p1 [spmem:s18], $0x2800  }
0x47: {  	s10 =	simm.s32 @p1 $0x5  }
0x48: {  	_ =	swait.ge @p1 [sflag:s10], $0x2800  }
0x49: {  	[sflag:s10] =	ssyncset.done @p1 $0x0  }
0x4a: {  	[sflag:s10] =	ssyncadd.s32 @p1 $0xFFFFD800;
	s10 =	rddreg [dreg:$0x7]  }
0x4b: {  	[hbm:s10], [sflag:s7] =	dma.local @!p1 [spmem:s0], $0x2700  }
0x4c: {  	s0 =	simm.s32 @!p1 $0x5  }
0x4d: {  	_ =	swait.ge @!p1 [sflag:s0], $0x2700  }
0x4e: {  	[sflag:s0] =	ssyncset.done @!p1 $0x0  }
0x4f: {  	[sflag:s0] =	ssyncadd.s32 @!p1 $0xFFFFD900  }
.LBB2_8:
0x50: {  	s3 =	sadd.s32 $0x1, s3  }
0x51: {  	p2 =	sne.s32 s3, s15  }
.Ltmp1:
0x52: {  	_ = 	snop;
	(pc) =	sbr.rel @!p2 .LBB2_9-.Ltmp1, $1  }
0x53: {  	_ =	sdelay $0x3  }
.LBB2_1:
0x54: {  	[spmem:s16], [sflag:s7] =	dma.local [hbm:s6], $0x2780  }
0x55: {  	_ =	swait.ge [sflag:s17], $0x2780  }
0x56: {  	[sflag:s17] =	ssyncset.done $0x0  }
0x57: {  	s0 =	simm.s32 $0x80;
	[sflag:s17] =	ssyncadd.s32 $0xFFFFD880  }
.Ltmp2:
0x58: {  	s10 =	simm.s32 $0x400;
	[bflag:$0x0] =	sbarrier.arrive $0xFFFF;
	(pc) =	sbr.rel @p0 .LBB2_5-.Ltmp2, $4  }
0x59: {  	[tilespmem:s5], [sflag:$0x5] =	stream.strided.gather [hbm4b:s8+s0], $0x4E80, s10, s0, $0x38;
	[tilespmem:$0x1EC80] =	vst v63  }
0x5a: {  	_ =	swait.ge [sflag:s17], $0x4E80  }
0x5b: {  	s18 =	sshrl.u32 @p1 s11, $0x3;
	[sflag:s17] =	ssyncset.done $0x0  }
0x5c: {  	p2 =	por $0x1, $0x1;
	s0 =	sshrl.u32 @!p1 s9, $0x3;
	[sflag:s17] =	ssyncadd.s32 $0xFFFFB180  }
0x5d: {  	s10 =	simm.s32 @!p2 $0x3  }
0x5e: {  	_ =	swait.ge @!p2 [sflag:s10], $0x3000  }
0x5f: {  	[sflag:s10] =	ssyncset.done @!p2 $0x0  }
0x60: {  	s12 =	simm.s32 @!p2 $0x4;
	[sflag:s10] =	ssyncadd.s32 @!p2 $0xFFFFD000  }
0x61: {  	_ =	swait.ge @!p2 [sflag:s12], $0x3000  }
0x62: {  	[sflag:s12] =	ssyncset.done @!p2 $0x0  }
0x63: {  	[sflag:s12] =	ssyncadd.s32 @!p2 $0xFFFFD000  }
0x64: {  	v0 =	vld [tilespmem:s20+$0xFFFFFFA0];
	_ =	sdelay $0x4  }
0x65: {  	v1 =	vand.u32 $0x3FFF, v0  }
0x66: {  	v0 =	vshrl.u32 v0, $0xE;
	[tilespmem:$0x4E80] =	vst v1  }
0x67: {  	[tilespmem:$0x4F80] =	vst v0  }
0x68: {  	v0 =	vld [tilespmem:s20+$0xFFFFFFB0];
	_ =	sdelay $0x4  }
0x69: {  	v1 =	vand.u32 $0x3FFF, v0  }
0x6a: {  	v0 =	vshrl.u32 v0, $0xE;
	[tilespmem:$0x4E90] =	vst v1  }
0x6b: {  	[tilespmem:$0x4F90] =	vst v0  }
0x6c: {  	v0 =	vld [tilespmem:s20+$0xFFFFFFC0];
	_ =	sdelay $0x4  }
0x6d: {  	v1 =	vand.u32 $0x3FFF, v0  }
0x6e: {  	v0 =	vshrl.u32 v0, $0xE;
	[tilespmem:$0x4EA0] =	vst v1  }
0x6f: {  	[tilespmem:$0x4FA0] =	vst v0  }
0x70: {  	v0 =	vld [tilespmem:s20+$0xFFFFFFD0];
	_ =	sdelay $0x4  }
0x71: {  	v1 =	vand.u32 $0x3FFF, v0  }
0x72: {  	v0 =	vshrl.u32 v0, $0xE;
	[tilespmem:$0x4EB0] =	vst v1  }
0x73: {  	[tilespmem:$0x4FB0] =	vst v0  }
0x74: {  	v0 =	vld [tilespmem:s20+$0xFFFFFFE0];
	_ =	sdelay $0x4  }
0x75: {  	v1 =	vand.u32 $0x3FFF, v0  }
0x76: {  	v0 =	vshrl.u32 v0, $0xE;
	[tilespmem:$0x4EC0] =	vst v1  }
0x77: {  	[tilespmem:$0x4FC0] =	vst v0  }
0x78: {  	v0 =	vld [tilespmem:s20+$0xFFFFFFF0];
	_ =	sdelay $0x4  }
0x79: {  	v1 =	vand.u32 $0x3FFF, v0  }
0x7a: {  	v0 =	vshrl.u32 v0, $0xE;
	[tilespmem:$0x4ED0] =	vst v1  }
0x7b: {  	[tilespmem:$0x4FD0] =	vst v0  }
0x7c: {  	v0 =	vld [tilespmem:s20+$0x0];
	_ =	sdelay $0x4  }
0x7d: {  	v1 =	vand.u32 $0x3FFF, v0  }
0x7e: {  	v0 =	vshrl.u32 v0, $0xE;
	[tilespmem:$0x4F00] =	vst v1  }
0x7f: {  	[tilespmem:$0x5000] =	vst v0  }
0x80: {  	v0 =	vld [tilespmem:s20+$0x10];
	_ =	sdelay $0x4  }
0x81: {  	v1 =	vand.u32 $0x3FFF, v0  }
0x82: {  	v0 =	vshrl.u32 v0, $0xE;
	[tilespmem:$0x4F10] =	vst v1  }
0x83: {  	s19 =	sand.u32 $0x7FC0, s5;
	[tilespmem:$0x5010] =	vst v0  }
0x84: {  	v0 =	vld [tilespmem:s19+$0x80];
	_ =	sdelay $0x4  }
0x85: {  	v1 =	vand.u32 $0x3FFF, v0  }
0x86: {  	v0 =	vshrl.u32 v0, $0xE;
	[tilespmem:$0x4F20] =	vst v1  }
0x87: {  	[tilespmem:$0x5020] =	vst v0  }
0x88: {  	v0 =	vld [tilespmem:s20+$0x30];
	_ =	sdelay $0x4  }
0x89: {  	v1 =	vand.u32 $0x3FFF, v0  }
0x8a: {  	v0 =	vshrl.u32 v0, $0xE;
	[tilespmem:$0x4F30] =	vst v1  }
0x8b: {  	[tilespmem:$0x5030] =	vst v0  }
0x8c: {  	v0 =	vld [tilespmem:s20+$0x40];
	_ =	sdelay $0x4  }
0x8d: {  	v1 =	vand.u32 $0x3FFF, v0  }
0x8e: {  	v0 =	vshrl.u32 v0, $0xE;
	[tilespmem:$0x4F40] =	vst v1  }
0x8f: {  	[tilespmem:$0x5040] =	vst v0  }
0x90: {  	s10 =	simm.s32 $0x60;
	s19 =	simm.s32 $0xC0;
	v0 =	vld [tilespmem:s20+$0x50]  }
.LBB2_3:
0x91: {  	_ =	sdelay $0x2  }
0x92: {  	s10 =	sadd.s32 $0xC0, s10;
	s12 =	smov.u32 s19;
	s19 =	sadd.s32 $0xC0, s19  }
0x93: {  	p2 =	sne.s32 s19, $0x4E00;
	v1 =	vand.u32 $0x3FFF, v0;
	v0 =	vshrl.u32 v0, $0xE  }
0x94: {  	[tilespmem:$0x4F50] =	vst v1  }
0x95: {  	[tilespmem:$0x5050] =	vst v0  }
0x96: {  	[tilespmem:s22], [sflag:$0x1] =	stream.indirect.gather [hbm4b:s1+s20], $0x80, s21, s20, $0xb8;
	[tilespmem:$0x1EC80] =	vst v63  }
0x97: {  	_ = 	snop  }
0x98: {  	[tilespmem:s24], [sflag:$0x2] =	stream.indirect.gather [hbm4b:s1+s20], $0x80, s23, s20, $0xb8;
	[tilespmem:$0x1EC80] =	vst v63  }
0x99: {  	_ =	swait.ge [sflag:s25], $0x3000  }
0x9a: {  	[sflag:s25] =	ssyncset.done $0x0  }
0x9b: {  	[sflag:s25] =	ssyncadd.s32 $0xFFFFD000  }
0x9c: {  	[spmem:s4] =	stream.indirect.scatter.add.f32 [tilespmem:s22], [sflag:$0x3], $0x80, s26, s20, $0xb8;
	[tilespmem:$0x1EC80] =	vst v63  }
0x9d: {  	p3 =	seq.s32 s12, $0x0;
	_ =	swait.ge [sflag:s28], $0x3000  }
0x9e: {  	s13 =	simm.s32 @!p3 $0x3;
	[sflag:s28] =	ssyncset.done $0x0  }
0x9f: {  	[sflag:s28] =	ssyncadd.s32 $0xFFFFD000  }
0xa0: {  	[spmem:s4] =	stream.indirect.scatter.add.f32 [tilespmem:s24], [sflag:$0x4], $0x80, s29, s20, $0xb8;
	[tilespmem:$0x1EC80] =	vst v63  }
0xa1: {  	_ =	swait.ge @!p3 [sflag:s13], $0x3000  }
0xa2: {  	s14 =	simm.s32 @!p3 $0x4;
	[sflag:s13] =	ssyncset.done @!p3 $0x0  }
0xa3: {  	[sflag:s13] =	ssyncadd.s32 @!p3 $0xFFFFD000  }
0xa4: {  	_ =	swait.ge @!p3 [sflag:s14], $0x3000  }
0xa5: {  	[sflag:s14] =	ssyncset.done @!p3 $0x0  }
0xa6: {  	[sflag:s14] =	ssyncadd.s32 @!p3 $0xFFFFD000  }
0xa7: {  	v0 =	vld [tilespmem:s10+$0xFFFFFFA0];
	_ =	sdelay $0x4  }
0xa8: {  	v1 =	vand.u32 $0x3FFF, v0;
	v0 =	vshrl.u32 v0, $0xE  }
0xa9: {  	[tilespmem:$0x4E80] =	vst v1  }
0xaa: {  	[tilespmem:$0x4F80] =	vst v0  }
0xab: {  	v0 =	vld [tilespmem:s10+$0xFFFFFFB0];
	_ =	sdelay $0x4  }
0xac: {  	v1 =	vand.u32 $0x3FFF, v0;
	v0 =	vshrl.u32 v0, $0xE  }
0xad: {  	[tilespmem:$0x4E90] =	vst v1  }
0xae: {  	[tilespmem:$0x4F90] =	vst v0  }
0xaf: {  	v0 =	vld [tilespmem:s10+$0xFFFFFFC0];
	_ =	sdelay $0x4  }
0xb0: {  	v1 =	vand.u32 $0x3FFF, v0;
	v0 =	vshrl.u32 v0, $0xE  }
0xb1: {  	[tilespmem:$0x4EA0] =	vst v1  }
0xb2: {  	[tilespmem:$0x4FA0] =	vst v0  }
0xb3: {  	v0 =	vld [tilespmem:s10+$0xFFFFFFD0];
	_ =	sdelay $0x4  }
0xb4: {  	v1 =	vand.u32 $0x3FFF, v0;
	v0 =	vshrl.u32 v0, $0xE  }
0xb5: {  	[tilespmem:$0x4EB0] =	vst v1  }
0xb6: {  	[tilespmem:$0x4FB0] =	vst v0  }
0xb7: {  	v0 =	vld [tilespmem:s10+$0xFFFFFFE0];
	_ =	sdelay $0x4  }
0xb8: {  	v1 =	vand.u32 $0x3FFF, v0;
	v0 =	vshrl.u32 v0, $0xE  }
0xb9: {  	[tilespmem:$0x4EC0] =	vst v1  }
0xba: {  	[tilespmem:$0x4FC0] =	vst v0  }
0xbb: {  	v0 =	vld [tilespmem:s10+$0xFFFFFFF0];
	_ =	sdelay $0x4  }
0xbc: {  	v1 =	vand.u32 $0x3FFF, v0;
	v0 =	vshrl.u32 v0, $0xE  }
0xbd: {  	[tilespmem:$0x4ED0] =	vst v1  }
0xbe: {  	[tilespmem:$0x4FD0] =	vst v0  }
0xbf: {  	v0 =	vld [tilespmem:s10+$0x0];
	_ =	sdelay $0x4  }
0xc0: {  	v1 =	vand.u32 $0x3FFF, v0;
	v0 =	vshrl.u32 v0, $0xE  }
0xc1: {  	[tilespmem:$0x4F00] =	vst v1  }
0xc2: {  	[tilespmem:$0x5000] =	vst v0  }
0xc3: {  	v0 =	vld [tilespmem:s10+$0x10];
	_ =	sdelay $0x4  }
0xc4: {  	v1 =	vand.u32 $0x3FFF, v0;
	v0 =	vshrl.u32 v0, $0xE  }
0xc5: {  	[tilespmem:$0x4F10] =	vst v1  }
0xc6: {  	s12 =	sand.u32 $0x7FC0, s12;
	[tilespmem:$0x5010] =	vst v0  }
0xc7: {  	v0 =	vld [tilespmem:s12+$0x80];
	_ =	sdelay $0x4  }
0xc8: {  	v1 =	vand.u32 $0x3FFF, v0;
	v0 =	vshrl.u32 v0, $0xE  }
0xc9: {  	[tilespmem:$0x4F20] =	vst v1  }
0xca: {  	[tilespmem:$0x5020] =	vst v0  }
0xcb: {  	v0 =	vld [tilespmem:s10+$0x30];
	_ =	sdelay $0x4  }
0xcc: {  	v1 =	vand.u32 $0x3FFF, v0;
	v0 =	vshrl.u32 v0, $0xE  }
0xcd: {  	[tilespmem:$0x4F30] =	vst v1  }
0xce: {  	[tilespmem:$0x5030] =	vst v0  }
0xcf: {  	v0 =	vld [tilespmem:s10+$0x40];
	_ =	sdelay $0x3  }
.Ltmp3:
0xd0: {  	(pc) =	sbr.rel @p2 .LBB2_3-.Ltmp3, $4  }
0xd1: {  	v1 =	vand.u32 $0x3FFF, v0;
	v0 =	vshrl.u32 v0, $0xE  }
0xd2: {  	[tilespmem:$0x4F40] =	vst v1  }
0xd3: {  	[tilespmem:$0x5040] =	vst v0  }
0xd4: {  	v0 =	vld [tilespmem:s10+$0x50]  }
0xd5: {  	_ =	sdelay $0x3  }
0xd6: {  	v1 =	vand.u32 $0x3FFF, v0  }
0xd7: {  	v48 =	vshrl.u32 v0, $0xE;
	[tilespmem:$0x4F50] =	vst v1  }
0xd8: {  	[tilespmem:$0x5050] =	vst v48  }
0xd9: {  	[tilespmem:s22], [sflag:$0x1] =	stream.indirect.gather [hbm4b:s1+s20], $0x80, s21, s20, $0xb8;
	[tilespmem:$0x1EC80] =	vst v63  }
0xda: {  	_ = 	snop  }
0xdb: {  	[tilespmem:s24], [sflag:$0x2] =	stream.indirect.gather [hbm4b:s1+s20], $0x80, s23, s20, $0xb8;
	[tilespmem:$0x1EC80] =	vst v63  }
0xdc: {  	_ =	swait.ge [sflag:s25], $0x3000  }
0xdd: {  	[sflag:s25] =	ssyncset.done $0x0  }
0xde: {  	[sflag:s25] =	ssyncadd.s32 $0xFFFFD000  }
0xdf: {  	[spmem:s4] =	stream.indirect.scatter.add.f32 [tilespmem:s22], [sflag:$0x3], $0x80, s26, s20, $0xb8;
	[tilespmem:$0x1EC80] =	vst v63  }
0xe0: {  	_ =	swait.ge [sflag:s28], $0x3000  }
0xe1: {  	[sflag:s28] =	ssyncset.done $0x0  }
0xe2: {  	[sflag:s28] =	ssyncadd.s32 $0xFFFFD000  }
0xe3: {  	[spmem:s4] =	stream.indirect.scatter.add.f32 [tilespmem:s24], [sflag:$0x4], $0x80, s29, s20, $0xb8;
	[tilespmem:$0x1EC80] =	vst v63  }
0xe4: {  	_ =	swait.ge [sflag:s30], $0x3000  }
0xe5: {  	[sflag:s30] =	ssyncset.done $0x0  }
0xe6: {  	[sflag:s30] =	ssyncadd.s32 $0xFFFFD000  }
0xe7: {  	_ =	swait.ge [sflag:s31], $0x3000  }
0xe8: {  	[sflag:s31] =	ssyncset.done $0x0  }
0xe9: {  	[sflag:s31] =	ssyncadd.s32 $0xFFFFD000  }
0xea: {  	v49 =	vld [tilespmem:$0x4E00];
	_ =	sdelay $0x1  }
0xeb: {  	v50 =	vld [tilespmem:$0x4E10];
	_ =	sdelay $0x1  }
0xec: {  	v2 =	vld [tilespmem:$0x4E20]  }
0xed: {  	v3 =	vand.u32 $0x3FFF, v49  }
0xee: {  	v51 =	vld [tilespmem:$0x4E30];
	v0 =	vshrl.u32 v49, $0xE;
	[tilespmem:$0x4E80] =	vst v3  }
0xef: {  	v52 =	vand.u32 $0x3FFF, v50;
	[tilespmem:$0x4F80] =	vst v0  }
0xf0: {  	v54 =	vld [tilespmem:$0x4E40];
	v53 =	vshrl.u32 v50, $0xE;
	[tilespmem:$0x4E90] =	vst v52  }
0xf1: {  	v55 =	vand.u32 $0x3FFF, v2;
	[tilespmem:$0x4F90] =	vst v53  }
0xf2: {  	v57 =	vld [tilespmem:$0x4E50];
	v56 =	vshrl.u32 v2, $0xE;
	[tilespmem:$0x4EA0] =	vst v55  }
0xf3: {  	v58 =	vand.u32 $0x3FFF, v51;
	[tilespmem:$0x4FA0] =	vst v56  }
0xf4: {  	v59 =	vshrl.u32 v51, $0xE;
	[tilespmem:$0x4EB0] =	vst v58  }
0xf5: {  	v60 =	vand.u32 $0x3FFF, v54;
	[tilespmem:$0x4FB0] =	vst v59  }
0xf6: {  	v61 =	vshrl.u32 v54, $0xE;
	[tilespmem:$0x4EC0] =	vst v60  }
0xf7: {  	v62 =	vand.u32 $0x3FFF, v57;
	[tilespmem:$0x4FC0] =	vst v61  }
0xf8: {  	v63 =	vshrl.u32 v57, $0xE;
	[tilespmem:$0x4ED0] =	vst v62  }
0xf9: {  	[tilespmem:$0x4FD0] =	vst v63  }
0xfa: {  	[tilespmem:s22], [sflag:$0x5] =	stream.indirect.gather [hbm4b:s1+s20], $0x80, s21, s20, $0xb8;
	[tilespmem:$0x1EC80] =	vst v63  }
0xfb: {  	_ =	swait.ge [sflag:s17], $0x3000  }
0xfc: {  	[sflag:s17] =	ssyncset.done $0x0  }
0xfd: {  	[sflag:s17] =	ssyncadd.s32 $0xFFFFD000  }
0xfe: {  	[spmem:s4] =	stream.indirect.scatter.add.f32 [tilespmem:s22], [sflag:$0x5], $0x80, s26, s20, $0xb8;
	[tilespmem:$0x1EC80] =	vst v63  }
0xff: {  	_ =	swait.ge [sflag:s17], $0x3000  }
0x100: {  	[sflag:s17] =	ssyncset.done $0x0  }
0x101: {  	[sflag:s17] =	ssyncadd.s32 $0xFFFFD000  }
0x102: {  	[bflag:$0x0] =	sbarrier.arrive $0xFFFF  }
0x103: {  	s10 =	rddreg [dreg:$0xa]  }
0x104: {  	[hbm:s10], [sflag:s7] =	dma.local @p1 [spmem:s18], $0x2800  }
0x105: {  	s10 =	simm.s32 @p1 $0x5  }
0x106: {  	_ =	swait.ge @p1 [sflag:s10], $0x2800  }
0x107: {  	[sflag:s10] =	ssyncset.done @p1 $0x0  }
0x108: {  	[sflag:s10] =	ssyncadd.s32 @p1 $0xFFFFD800;
	s10 =	rddreg [dreg:$0x9]  }
0x109: {  	[hbm:s10], [sflag:s7] =	dma.local @!p1 [spmem:s0], $0x2700  }
.Ltmp4:
0x10a: {  	_ = 	snop;
	(pc) =	sbr.rel .LBB2_8-.Ltmp4, $4  }
0x10b: {  	s0 =	simm.s32 @!p1 $0x5  }
0x10c: {  	_ =	swait.ge @!p1 [sflag:s0], $0x2700  }
0x10d: {  	[sflag:s0] =	ssyncset.done @!p1 $0x0  }
0x10e: {  	[sflag:s0] =	ssyncadd.s32 @!p1 $0xFFFFD900  }
.LBB2_5:
0x10f: {  	s10 =	simm.s32 @!p2 $0x3  }
0x110: {  	_ =	swait.ge @!p2 [sflag:s10], $0x3000  }
0x111: {  	[sflag:s10] =	ssyncset.done @!p2 $0x0  }
0x112: {  	s12 =	simm.s32 @!p2 $0x4;
	[sflag:s10] =	ssyncadd.s32 @!p2 $0xFFFFD000  }
0x113: {  	_ =	swait.ge @!p2 [sflag:s12], $0x3000  }
0x114: {  	[sflag:s12] =	ssyncset.done @!p2 $0x0  }
0x115: {  	[sflag:s12] =	ssyncadd.s32 @!p2 $0xFFFFD000  }
0x116: {  	v0 =	vld [tilespmem:s20+$0xFFFFFFA0];
	_ =	sdelay $0x4  }
0x117: {  	v1 =	vand.u32 $0x3FFF, v0  }
0x118: {  	v0 =	vshrl.u32 v0, $0xE;
	[tilespmem:$0x4E80] =	vst v1  }
0x119: {  	[tilespmem:$0x4F80] =	vst v0  }
0x11a: {  	v0 =	vld [tilespmem:s20+$0xFFFFFFB0];
	_ =	sdelay $0x4  }
0x11b: {  	v1 =	vand.u32 $0x3FFF, v0  }
0x11c: {  	v0 =	vshrl.u32 v0, $0xE;
	[tilespmem:$0x4E90] =	vst v1  }
0x11d: {  	[tilespmem:$0x4F90] =	vst v0  }
0x11e: {  	v0 =	vld [tilespmem:s20+$0xFFFFFFC0];
	_ =	sdelay $0x4  }
0x11f: {  	v1 =	vand.u32 $0x3FFF, v0  }
0x120: {  	v0 =	vshrl.u32 v0, $0xE;
	[tilespmem:$0x4EA0] =	vst v1  }
0x121: {  	[tilespmem:$0x4FA0] =	vst v0  }
0x122: {  	v0 =	vld [tilespmem:s20+$0xFFFFFFD0];
	_ =	sdelay $0x4  }
0x123: {  	v1 =	vand.u32 $0x3FFF, v0  }
0x124: {  	v0 =	vshrl.u32 v0, $0xE;
	[tilespmem:$0x4EB0] =	vst v1  }
0x125: {  	[tilespmem:$0x4FB0] =	vst v0  }
0x126: {  	v0 =	vld [tilespmem:s20+$0xFFFFFFE0];
	_ =	sdelay $0x4  }
0x127: {  	v1 =	vand.u32 $0x3FFF, v0  }
0x128: {  	v0 =	vshrl.u32 v0, $0xE;
	[tilespmem:$0x4EC0] =	vst v1  }
0x129: {  	[tilespmem:$0x4FC0] =	vst v0  }
0x12a: {  	v0 =	vld [tilespmem:s20+$0xFFFFFFF0];
	_ =	sdelay $0x4  }
0x12b: {  	v1 =	vand.u32 $0x3FFF, v0  }
0x12c: {  	v0 =	vshrl.u32 v0, $0xE;
	[tilespmem:$0x4ED0] =	vst v1  }
0x12d: {  	[tilespmem:$0x4FD0] =	vst v0  }
0x12e: {  	v0 =	vld [tilespmem:s20+$0x0];
	_ =	sdelay $0x4  }
0x12f: {  	v1 =	vand.u32 $0x3FFF, v0  }
0x130: {  	v0 =	vshrl.u32 v0, $0xE;
	[tilespmem:$0x4F00] =	vst v1  }
0x131: {  	[tilespmem:$0x5000] =	vst v0  }
0x132: {  	v0 =	vld [tilespmem:s20+$0x10];
	_ =	sdelay $0x4  }
0x133: {  	v1 =	vand.u32 $0x3FFF, v0  }
0x134: {  	v0 =	vshrl.u32 v0, $0xE;
	[tilespmem:$0x4F10] =	vst v1  }
0x135: {  	s19 =	sand.u32 $0x7FC0, s5;
	[tilespmem:$0x5010] =	vst v0  }
0x136: {  	v0 =	vld [tilespmem:s19+$0x80];
	_ =	sdelay $0x4  }
0x137: {  	v1 =	vand.u32 $0x3FFF, v0  }
0x138: {  	v0 =	vshrl.u32 v0, $0xE;
	[tilespmem:$0x4F20] =	vst v1  }
0x139: {  	[tilespmem:$0x5020] =	vst v0  }
0x13a: {  	v0 =	vld [tilespmem:s20+$0x30];
	_ =	sdelay $0x4  }
0x13b: {  	v1 =	vand.u32 $0x3FFF, v0  }
0x13c: {  	v0 =	vshrl.u32 v0, $0xE;
	[tilespmem:$0x4F30] =	vst v1  }
0x13d: {  	[tilespmem:$0x5030] =	vst v0  }
0x13e: {  	v0 =	vld [tilespmem:s20+$0x40];
	_ =	sdelay $0x4  }
0x13f: {  	v1 =	vand.u32 $0x3FFF, v0  }
0x140: {  	v0 =	vshrl.u32 v0, $0xE;
	[tilespmem:$0x4F40] =	vst v1  }
0x141: {  	[tilespmem:$0x5040] =	vst v0  }
0x142: {  	v0 =	vld [tilespmem:s20+$0x50];
	_ =	sdelay $0x2  }
0x143: {  	s10 =	simm.s32 $0x60;
	s19 =	simm.s32 $0xC0  }
.LBB2_6:
0x144: {  	s10 =	sadd.s32 $0xC0, s10;
	s12 =	smov.u32 s19;
	s19 =	sadd.s32 $0xC0, s19  }
0x145: {  	v1 =	vand.u32 $0x3FFF, v0;
	v0 =	vshrl.u32 v0, $0xE;
	p2 =	sne.s32 s19, $0x4E00  }
0x146: {  	[tilespmem:$0x4F50] =	vst v1  }
0x147: {  	[tilespmem:$0x5050] =	vst v0  }
0x148: {  	[tilespmem:s22], [sflag:$0x1] =	stream.indirect.gather [hbm4b:s2+s20], $0x80, s21, s20, $0xb8;
	[tilespmem:$0x1EC80] =	vst v63  }
0x149: {  	_ = 	snop  }
0x14a: {  	[tilespmem:s24], [sflag:$0x2] =	stream.indirect.gather [hbm4b:s2+s20], $0x80, s23, s20, $0xb8;
	[tilespmem:$0x1EC80] =	vst v63  }
0x14b: {  	_ =	swait.ge [sflag:s25], $0x3000  }
0x14c: {  	[sflag:s25] =	ssyncset.done $0x0  }
0x14d: {  	[sflag:s25] =	ssyncadd.s32 $0xFFFFD000  }
0x14e: {  	[spmem:s4] =	stream.indirect.scatter.add.f32 [tilespmem:s22], [sflag:$0x3], $0x80, s26, s20, $0xb8;
	[tilespmem:$0x1EC80] =	vst v63  }
0x14f: {  	p3 =	seq.s32 s12, $0x0;
	_ =	swait.ge [sflag:s28], $0x3000  }
0x150: {  	s13 =	simm.s32 @!p3 $0x3;
	[sflag:s28] =	ssyncset.done $0x0  }
0x151: {  	[sflag:s28] =	ssyncadd.s32 $0xFFFFD000  }
0x152: {  	[spmem:s4] =	stream.indirect.scatter.add.f32 [tilespmem:s24], [sflag:$0x4], $0x80, s29, s20, $0xb8;
	[tilespmem:$0x1EC80] =	vst v63  }
0x153: {  	_ =	swait.ge @!p3 [sflag:s13], $0x3000  }
0x154: {  	s14 =	simm.s32 @!p3 $0x4;
	[sflag:s13] =	ssyncset.done @!p3 $0x0  }
0x155: {  	[sflag:s13] =	ssyncadd.s32 @!p3 $0xFFFFD000  }
0x156: {  	_ =	swait.ge @!p3 [sflag:s14], $0x3000  }
0x157: {  	[sflag:s14] =	ssyncset.done @!p3 $0x0  }
0x158: {  	[sflag:s14] =	ssyncadd.s32 @!p3 $0xFFFFD000  }
0x159: {  	v0 =	vld [tilespmem:s10+$0xFFFFFFA0];
	_ =	sdelay $0x4  }
0x15a: {  	v1 =	vand.u32 $0x3FFF, v0;
	v0 =	vshrl.u32 v0, $0xE  }
0x15b: {  	[tilespmem:$0x4E80] =	vst v1  }
0x15c: {  	[tilespmem:$0x4F80] =	vst v0  }
0x15d: {  	v0 =	vld [tilespmem:s10+$0xFFFFFFB0];
	_ =	sdelay $0x4  }
0x15e: {  	v1 =	vand.u32 $0x3FFF, v0;
	v0 =	vshrl.u32 v0, $0xE  }
0x15f: {  	[tilespmem:$0x4E90] =	vst v1  }
0x160: {  	[tilespmem:$0x4F90] =	vst v0  }
0x161: {  	v0 =	vld [tilespmem:s10+$0xFFFFFFC0];
	_ =	sdelay $0x4  }
0x162: {  	v1 =	vand.u32 $0x3FFF, v0;
	v0 =	vshrl.u32 v0, $0xE  }
0x163: {  	[tilespmem:$0x4EA0] =	vst v1  }
0x164: {  	[tilespmem:$0x4FA0] =	vst v0  }
0x165: {  	v0 =	vld [tilespmem:s10+$0xFFFFFFD0];
	_ =	sdelay $0x4  }
0x166: {  	v1 =	vand.u32 $0x3FFF, v0;
	v0 =	vshrl.u32 v0, $0xE  }
0x167: {  	[tilespmem:$0x4EB0] =	vst v1  }
0x168: {  	[tilespmem:$0x4FB0] =	vst v0  }
0x169: {  	v0 =	vld [tilespmem:s10+$0xFFFFFFE0];
	_ =	sdelay $0x4  }
0x16a: {  	v1 =	vand.u32 $0x3FFF, v0;
	v0 =	vshrl.u32 v0, $0xE  }
0x16b: {  	[tilespmem:$0x4EC0] =	vst v1  }
0x16c: {  	[tilespmem:$0x4FC0] =	vst v0  }
0x16d: {  	v0 =	vld [tilespmem:s10+$0xFFFFFFF0];
	_ =	sdelay $0x4  }
0x16e: {  	v1 =	vand.u32 $0x3FFF, v0;
	v0 =	vshrl.u32 v0, $0xE  }
0x16f: {  	[tilespmem:$0x4ED0] =	vst v1  }
0x170: {  	[tilespmem:$0x4FD0] =	vst v0  }
0x171: {  	v0 =	vld [tilespmem:s10+$0x0];
	_ =	sdelay $0x4  }
0x172: {  	v1 =	vand.u32 $0x3FFF, v0;
	v0 =	vshrl.u32 v0, $0xE  }
0x173: {  	[tilespmem:$0x4F00] =	vst v1  }
0x174: {  	[tilespmem:$0x5000] =	vst v0  }
0x175: {  	v0 =	vld [tilespmem:s10+$0x10];
	_ =	sdelay $0x4  }
0x176: {  	v1 =	vand.u32 $0x3FFF, v0;
	v0 =	vshrl.u32 v0, $0xE  }
0x177: {  	[tilespmem:$0x4F10] =	vst v1  }
0x178: {  	s12 =	sand.u32 $0x7FC0, s12;
	[tilespmem:$0x5010] =	vst v0  }
0x179: {  	v0 =	vld [tilespmem:s12+$0x80];
	_ =	sdelay $0x4  }
0x17a: {  	v1 =	vand.u32 $0x3FFF, v0;
	v0 =	vshrl.u32 v0, $0xE  }
0x17b: {  	[tilespmem:$0x4F20] =	vst v1  }
0x17c: {  	[tilespmem:$0x5020] =	vst v0  }
0x17d: {  	v0 =	vld [tilespmem:s10+$0x30];
	_ =	sdelay $0x4  }
0x17e: {  	v1 =	vand.u32 $0x3FFF, v0;
	v0 =	vshrl.u32 v0, $0xE  }
0x17f: {  	[tilespmem:$0x4F30] =	vst v1  }
0x180: {  	[tilespmem:$0x5030] =	vst v0  }
0x181: {  	v0 =	vld [tilespmem:s10+$0x40];
	_ =	sdelay $0x3  }
.Ltmp5:
0x182: {  	(pc) =	sbr.rel @p2 .LBB2_6-.Ltmp5, $4  }
0x183: {  	v1 =	vand.u32 $0x3FFF, v0;
	v0 =	vshrl.u32 v0, $0xE  }
0x184: {  	[tilespmem:$0x4F40] =	vst v1  }
0x185: {  	[tilespmem:$0x5040] =	vst v0  }
0x186: {  	v0 =	vld [tilespmem:s10+$0x50]  }
.Ltmp6:
0x187: {  	_ = 	snop;
	(pc) =	sbr.rel .LBB2_7-.Ltmp6, $1  }
0x188: {  	_ =	sdelay $0x3  }
.LBB2_9:
0x189: {  	_ =	sfence.sel $0x180000  }
0x18a: {  	[bflag:$0x0] =	sbarrier.arrive $0xFFFF  }
0x18b: {  	_ =	strace $0x90000047  }
0x18c: {  	s0 =	stileid.u32;
	[bflag:$0x2] =	sbarrier.arrive $0xFFFF  }
0x18d: {  	p0 =	sne.s32 s0, $0x0;
	s0 =	rddreg [dreg:$0x6]  }
0x18e: {  	s0 =	sadd.s32 @!p0 $0x100000, s0  }
0x18f: {  	[sflag:s0] =	ssyncadd.tile.s32 @!p0 $0x1;
	_ =	shalt  }
.Lfunc_end2:
_tile_overlayer_lowered:
.L_overlay_start_2:
0x190: {  	(tag) =	ssettag $0x2  }
0x191: {  	s0 =	rddreg [dreg:$0x0];
	s2 =	stileid.u32  }
0x192: {  	s1 =	rddreg [dreg:$0x1];
	p0 =	sne.s32 s2, $0x0  }
0x193: {  	s3 =	rddreg [dreg:$0x2];
	[bflag:$0x3] =	sbarrier.arrive $0xFFFF;
	s2 =	simm.s32 @!p0 $0x1C05  }
0x194: {  	[timem:s3], [sflag:s2] =	dma.local @!p0 [hbm:s0], s1  }
0x195: {  	s0 =	simm.s32 @!p0 $0x5  }
0x196: {  	_ =	swait.ge @!p0 [sflag:s0], s1  }
0x197: {  	s1 =	ssub.s32 @!p0 $0x0, s1;
	[sflag:s0] =	ssyncset.done @!p0 $0x0  }
0x198: {  	[sflag:s0] =	ssyncadd.s32 @!p0 s1  }
0x199: {  	[bflag:$0x3] =	sbarrier.arrive $0xFFFF  }
0x19a: {  	_ =	shalt  }

</sc_bundles>
